<compile_context>
chip_gen: v7x
topology: tpu7x:2x2x1
jax: 0.10.2.dev20260603
libtpu: 0.0.44.dev20260713+nightly
codegen_flags: <defaults>
</compile_context>

<pallas_src>
import functools

import jax
import jax.numpy as jnp
from jax import lax
from jax.experimental import pallas as pl
from jax.experimental.pallas import tpu as pltpu
from jax.experimental.pallas import tpu_sc as plsc

B, N, F = 8, 50000, 128

N_SC = 10000
N_TC = N - N_SC

QUARTERS = 4
ROWS_W = N_SC // QUARTERS
RCHUNK = 250
NCHUNK = ROWS_W // RCHUNK
CELEMS = RCHUNK * F
NVREG = F // 16

TCHUNK = 2000
TC_OFF = N_SC // TCHUNK
NTCHUNK = N_TC // TCHUNK


def _sc_body(x_hbm, out_hbm, buf, stage, cbuf, shared, sem0, sem1):
    c = lax.axis_index("c")
    s = lax.axis_index("s")
    wid = c * 16 + s
    b = wid // QUARTERS
    q = wid % QUARTERS
    base = b * (N * F) + q * (ROWS_W * F)
    sems = (sem0, sem1)

    def src(t):
        return x_hbm.at[pl.ds(base + t * CELEMS, CELEMS)]

    pltpu.async_copy(src(0), buf.at[0], sem0)
    pltpu.async_copy(src(1), buf.at[1], sem1)

    def chunk_body(g, accs):
        for slot in range(2):
            t = g * 2 + slot
            pltpu.make_async_copy(src(t), buf.at[slot], sems[slot]).wait()
            bslot = buf.at[slot]

            def row_body(r, a, bslot=bslot):
                ro = r * F
                return tuple(
                    a[k] + bslot[pl.ds(ro + k * 16, 16)]
                    for k in range(NVREG)
                )

            accs = lax.fori_loop(0, RCHUNK, row_body, accs, unroll=4)

            @pl.when(t + 2 < NCHUNK)
            def _prefetch():
                pltpu.async_copy(src(t + 2), buf.at[slot], sems[slot])

        return accs

    zero = jnp.zeros((16,), jnp.float32)
    accs = lax.fori_loop(0, NCHUNK // 2, chunk_body, (zero,) * NVREG)

    for k in range(NVREG):
        stage[pl.ds(k * 16, 16)] = accs[k]
    pltpu.sync_copy(stage, shared.at[s])
    plsc.subcore_barrier()

    @pl.when(q == 0)
    def _combine():
        pltpu.sync_copy(shared.at[pl.ds(s, QUARTERS)], cbuf)
        for k in range(NVREG):
            tot = (
                cbuf[0, pl.ds(k * 16, 16)]
                + cbuf[1, pl.ds(k * 16, 16)]
                + cbuf[2, pl.ds(k * 16, 16)]
                + cbuf[3, pl.ds(k * 16, 16)]
            )
            stage[pl.ds(k * 16, 16)] = tot
        pltpu.sync_copy(stage, out_hbm.at[b])


def _sc_partial(x):
    mesh = plsc.VectorSubcoreMesh(core_axis_name="c", subcore_axis_name="s")
    sc = pl.kernel(
        _sc_body,
        mesh=mesh,
        out_type=jax.ShapeDtypeStruct((B, F), jnp.float32),
        scratch_types=[
            pltpu.VMEM((2, CELEMS), jnp.float32),
            pltpu.VMEM((F,), jnp.float32),
            pltpu.VMEM((QUARTERS, F), jnp.float32),
            pltpu.VMEM_SHARED((16, F), jnp.float32),
            pltpu.SemaphoreType.DMA,
            pltpu.SemaphoreType.DMA,
        ],
    )
    return sc(x.reshape(-1))


def _tc_body(x_ref, o_ref):
    j = pl.program_id(0)

    @pl.when(j == 0)
    def _init():
        o_ref[...] = jnp.zeros_like(o_ref)

    o_ref[...] += jnp.sum(x_ref[...], axis=1)


def _tc_partial(x):
    return pl.pallas_call(
        _tc_body,
        grid=(NTCHUNK,),
        in_specs=[pl.BlockSpec((B, TCHUNK, F), lambda j: (0, j + TC_OFF, 0))],
        out_specs=pl.BlockSpec((B, F), lambda j: (0, 0)),
        out_shape=jax.ShapeDtypeStruct((B, F), jnp.float32),
    )(x)


def _combine_body(a_ref, b_ref, o_ref):
    o_ref[...] = (a_ref[...] + b_ref[...]) * (1.0 / N)


def _combine(a, b):
    return pl.pallas_call(
        _combine_body,
        out_shape=jax.ShapeDtypeStruct((B, F), jnp.float32),
    )(a, b)


@jax.jit
def kernel(x):
    sc_part = _sc_partial(x)
    tc_part = _tc_partial(x)
    return _combine(sc_part, tc_part)

# --- scband reference (transcript-rebuilt; emitter-appended) ---
"""Pipeline reference for scband-global-average-pooling-79680233276315 (READ-ONLY COPY).

The authoritative reference and input builder live on the scoring server;
editing this copy changes nothing except your own understanding.
"""

import jax, jax.numpy as jnp
import numpy as np


def setup_inputs(seed: int = 0) -> dict:
    key = jax.random.key(seed)
    x = jax.random.normal(key, (8, 50000, 128), dtype=jnp.float32)
    return {"x": x}


def reference(x):
    # Faithful translation of GlobalAveragePooling.forward:
    #   flatten to [B*N, F], build batch segment ids via repeat_interleave,
    #   then torch_geometric.nn.global_mean_pool == segment mean.
    batch_size, num_nodes, num_features = x.shape
    x_reshaped = x.reshape(batch_size * num_nodes, num_features)
    batch_tensor = jnp.repeat(jnp.arange(batch_size), num_nodes)
    sums = jax.ops.segment_sum(x_reshaped, batch_tensor, num_segments=batch_size)
    counts = jax.ops.segment_sum(
        jnp.ones((batch_size * num_nodes,), dtype=x.dtype),
        batch_tensor,
        num_segments=batch_size,
    )
    pooled_features = sums / counts[:, None]
    return pooled_features

if __name__ == "__main__":
    import jax
    _d = setup_inputs()
    print(jax.jit(kernel)(*tuple(_d.values())))

</pallas_src>

<mosaic_0001>
#map = affine_map<(d0, d1) -> (0)>
#map1 = affine_map<(d0, d1) -> (0, 0)>
module attributes {stable_mosaic.version = 14 : i64} {
  func.func @_sc_body(%arg0: i32, %arg1: i32, %arg2: memref<51200000xf32, #tpu.memory_space<hbm>>, %arg3: memref<8x128xf32, #tpu.memory_space<hbm>>, %arg4: memref<2x32000xf32, #tpu.memory_space<vmem>>, %arg5: memref<128xf32, #tpu.memory_space<vmem>>, %arg6: memref<4x128xf32, #tpu.memory_space<vmem>>, %arg7: memref<16x128xf32, #tpu.memory_space<vmem_shared>>, %arg8: memref<!tpu.dma_semaphore, #tpu.memory_space<semaphore_mem>>, %arg9: memref<!tpu.dma_semaphore, #tpu.memory_space<semaphore_mem>>) attributes {dimension_semantics = [#tpu.dimension_semantics<core_parallel>, #tpu.dimension_semantics<subcore_parallel>], iteration_bounds = array<i64: 2, 16>, scalar_prefetch = 0 : i64, scratch_operands = 6 : i64, tpu.core_type = #tpu.core_type<sc_vector_subcore>, window_params = [{transform_indices = #map}, {transform_indices = #map1}]} {
    %mul3A = arith.constant 16 : i32
    %mul3A_0 = arith.muli %arg0, %mul3A : i32
    %add3A = arith.addi %mul3A_0, %arg1 : i32
    %jit3A = arith.constant 4 : i32
    %div3A = arith.divsi %add3A, %jit3A : i32
    %sign3A = arith.constant 0 : i32
    %sign3A_1 = arith.cmpi sgt, %add3A, %sign3A : i32
    %sign3A_2 = arith.extui %sign3A_1 : i1 to i32
    %sign3A_3 = arith.constant 0 : i32
    %sign3A_4 = arith.cmpi slt, %add3A, %sign3A_3 : i32
    %sign3A_5 = arith.extui %sign3A_4 : i1 to i32
    %sign3A_6 = arith.subi %sign3A_2, %sign3A_5 : i32
    %sign3A_7 = arith.constant 0 : i32
    %sign3A_8 = arith.cmpi sgt, %jit3A, %sign3A_7 : i32
    %sign3A_9 = arith.extui %sign3A_8 : i1 to i32
    %sign3A_10 = arith.constant 0 : i32
    %sign3A_11 = arith.cmpi slt, %jit3A, %sign3A_10 : i32
    %sign3A_12 = arith.extui %sign3A_11 : i1 to i32
    %sign3A_13 = arith.subi %sign3A_9, %sign3A_12 : i32
    %ne3A = arith.cmpi ne, %sign3A_6, %sign3A_13 : i32
    %rem3A = arith.remsi %add3A, %jit3A : i32
    %ne3A_14 = arith.constant 0 : i32
    %ne3A_15 = arith.cmpi ne, %rem3A, %ne3A_14 : i32
    %and3A = arith.andi %ne3A, %ne3A_15 : i1
    %sub3A = arith.constant 1 : i32
    %sub3A_16 = arith.subi %div3A, %sub3A : i32
    %select_n3A = arith.select %and3A, %sub3A_16, %div3A : i32
    %jit3A_17 = arith.constant 4 : i32
    %eq3A = arith.constant 0 : i32
    %eq3A_18 = arith.cmpi eq, %jit3A_17, %eq3A : i32
    %jit3A_19 = arith.constant 1 : i32
    %select_n3A_20 = arith.select %eq3A_18, %jit3A_19, %jit3A_17 : i32
    %rem3A_21 = arith.remsi %add3A, %select_n3A_20 : i32
    %ne3A_22 = arith.constant 0 : i32
    %ne3A_23 = arith.cmpi ne, %rem3A_21, %ne3A_22 : i32
    %lt3A = arith.constant 0 : i32
    %lt3A_24 = arith.cmpi slt, %rem3A_21, %lt3A : i32
    %lt3A_25 = arith.constant 0 : i32
    %lt3A_26 = arith.cmpi slt, %select_n3A_20, %lt3A_25 : i32
    %ne3A_27 = arith.xori %lt3A_24, %lt3A_26 : i1
    %and3A_28 = arith.andi %ne3A_27, %ne3A_23 : i1
    %add3A_29 = arith.addi %rem3A_21, %select_n3A_20 : i32
    %select_n3A_30 = arith.select %and3A_28, %add3A_29, %rem3A_21 : i32
    %mul3A_31 = arith.constant 6400000 : i32
    %mul3A_32 = arith.muli %select_n3A, %mul3A_31 : i32
    %mul3A_33 = arith.constant 320000 : i32
    %mul3A_34 = arith.muli %select_n3A_30, %mul3A_33 : i32
    %add3A_35 = arith.addi %mul3A_32, %mul3A_34 : i32
    %add3A_36 = arith.constant 0 : i32
    %add3A_37 = arith.addi %add3A_35, %add3A_36 : i32
    %dma_start3A = arith.constant 0 : i32
    %dma_start3A_38 = arith.constant 0 : i32
    %dma_start3A_39 = tpu.memref_slice %arg4[%dma_start3A, %dma_start3A_38] : memref<2x32000xf32, #tpu.memory_space<vmem>> -> memref<1x32000xf32, #tpu.memory_space<vmem>>
    %dma_start3A_40 = tpu.memref_squeeze %dma_start3A_39 : memref<1x32000xf32, #tpu.memory_space<vmem>> -> memref<32000xf32, #tpu.memory_space<vmem>>
    %dma_start3A_41 = tpu.memref_slice %arg2[%add3A_37] : memref<51200000xf32, #tpu.memory_space<hbm>> -> memref<32000xf32, #tpu.memory_space<hbm>>
    %dma_start3A_42 = arith.constant 0 : i32
    %dma_start3A_43 = tpu.memref_slice %arg4[%dma_start3A, %dma_start3A_42] : memref<2x32000xf32, #tpu.memory_space<vmem>> -> memref<1x32000xf32, #tpu.memory_space<vmem>>
    %dma_start3A_44 = tpu.memref_squeeze %dma_start3A_43 : memref<1x32000xf32, #tpu.memory_space<vmem>> -> memref<32000xf32, #tpu.memory_space<vmem>>
    %dma_start3A_45 = tpu.memref_slice %arg2[%add3A_37] : memref<51200000xf32, #tpu.memory_space<hbm>> -> memref<32000xf32, #tpu.memory_space<hbm>>
    tpu.enqueue_dma source(%dma_start3A_45 : memref<32000xf32, #tpu.memory_space<hbm>>) target(%dma_start3A_44 : memref<32000xf32, #tpu.memory_space<vmem>>) target_semaphore(%arg8 : memref<!tpu.dma_semaphore, #tpu.memory_space<semaphore_mem>>)
    %add3A_46 = arith.constant 32000 : i32
    %add3A_47 = arith.addi %add3A_35, %add3A_46 : i32
    %dma_start3A_48 = arith.constant 1 : i32
    %dma_start3A_49 = arith.constant 0 : i32
    %dma_start3A_50 = tpu.memref_slice %arg4[%dma_start3A_48, %dma_start3A_49] : memref<2x32000xf32, #tpu.memory_space<vmem>> -> memref<1x32000xf32, #tpu.memory_space<vmem>>
    %dma_start3A_51 = tpu.memref_squeeze %dma_start3A_50 : memref<1x32000xf32, #tpu.memory_space<vmem>> -> memref<32000xf32, #tpu.memory_space<vmem>>
    %dma_start3A_52 = tpu.memref_slice %arg2[%add3A_47] : memref<51200000xf32, #tpu.memory_space<hbm>> -> memref<32000xf32, #tpu.memory_space<hbm>>
    %dma_start3A_53 = arith.constant 0 : i32
    %dma_start3A_54 = tpu.memref_slice %arg4[%dma_start3A_48, %dma_start3A_53] : memref<2x32000xf32, #tpu.memory_space<vmem>> -> memref<1x32000xf32, #tpu.memory_space<vmem>>
    %dma_start3A_55 = tpu.memref_squeeze %dma_start3A_54 : memref<1x32000xf32, #tpu.memory_space<vmem>> -> memref<32000xf32, #tpu.memory_space<vmem>>
    %dma_start3A_56 = tpu.memref_slice %arg2[%add3A_47] : memref<51200000xf32, #tpu.memory_space<hbm>> -> memref<32000xf32, #tpu.memory_space<hbm>>
    tpu.enqueue_dma source(%dma_start3A_56 : memref<32000xf32, #tpu.memory_space<hbm>>) target(%dma_start3A_55 : memref<32000xf32, #tpu.memory_space<vmem>>) target_semaphore(%arg9 : memref<!tpu.dma_semaphore, #tpu.memory_space<semaphore_mem>>)
    %broadcast_in_dim3A = arith.constant 0.000000e+00 : f32
    %broadcast_in_dim3A_57 = vector.broadcast %broadcast_in_dim3A : f32 to vector<16xf32>
    %scan3A = arith.constant 0 : i32
    %scan3A_58 = arith.constant 5 : i32
    %scan3A_59 = arith.addi %scan3A, %scan3A_58 : i32
    %scan3A_60 = arith.constant 1 : i32
    %scan3A_61:8 = scf.for %scan3A_97 = %scan3A to %scan3A_59 step %scan3A_60 iter_args(%scan3A_98 = %broadcast_in_dim3A_57, %scan3A_99 = %broadcast_in_dim3A_57, %scan3A_100 = %broadcast_in_dim3A_57, %scan3A_101 = %broadcast_in_dim3A_57, %scan3A_102 = %broadcast_in_dim3A_57, %scan3A_103 = %broadcast_in_dim3A_57, %scan3A_104 = %broadcast_in_dim3A_57, %scan3A_105 = %broadcast_in_dim3A_57) -> (vector<16xf32>, vector<16xf32>, vector<16xf32>, vector<16xf32>, vector<16xf32>, vector<16xf32>, vector<16xf32>, vector<16xf32>)  : i32 {
      %mul3A_106 = arith.constant 2 : i32
      %mul3A_107 = arith.muli %scan3A_97, %mul3A_106 : i32
      %add3A_108 = arith.constant 0 : i32
      %add3A_109 = arith.addi %mul3A_107, %add3A_108 : i32
      %mul3A_110 = arith.constant 32000 : i32
      %mul3A_111 = arith.muli %add3A_109, %mul3A_110 : i32
      %add3A_112 = arith.addi %add3A_35, %mul3A_111 : i32
      %dma_wait3A = arith.constant 0 : i32
      %dma_wait3A_113 = arith.constant 0 : i32
      %dma_wait3A_114 = tpu.memref_slice %arg4[%dma_wait3A, %dma_wait3A_113] : memref<2x32000xf32, #tpu.memory_space<vmem>> -> memref<1x32000xf32, #tpu.memory_space<vmem>>
      %dma_wait3A_115 = tpu.memref_squeeze %dma_wait3A_114 : memref<1x32000xf32, #tpu.memory_space<vmem>> -> memref<32000xf32, #tpu.memory_space<vmem>>
      %dma_wait3A_116 = tpu.memref_slice %arg2[%add3A_112] : memref<51200000xf32, #tpu.memory_space<hbm>> -> memref<32000xf32, #tpu.memory_space<hbm>>
      %dma_wait3A_117 = arith.constant 0 : i32
      %dma_wait3A_118 = tpu.memref_slice %arg4[%dma_wait3A, %dma_wait3A_117] : memref<2x32000xf32, #tpu.memory_space<vmem>> -> memref<1x32000xf32, #tpu.memory_space<vmem>>
      %dma_wait3A_119 = tpu.memref_squeeze %dma_wait3A_118 : memref<1x32000xf32, #tpu.memory_space<vmem>> -> memref<32000xf32, #tpu.memory_space<vmem>>
      %dma_wait3A_120 = tpu.memref_slice %arg2[%add3A_112] : memref<51200000xf32, #tpu.memory_space<hbm>> -> memref<32000xf32, #tpu.memory_space<hbm>>
      tpu.wait_dma2 semaphore(%arg8 : memref<!tpu.dma_semaphore, #tpu.memory_space<semaphore_mem>>) src(%dma_wait3A_120 : memref<32000xf32, #tpu.memory_space<hbm>>) dst(%dma_wait3A_119 : memref<32000xf32, #tpu.memory_space<vmem>>)
      %scan3A_121 = arith.constant 0 : i32
      %scan3A_122 = arith.constant 0 : i32
      %scan3A_123 = arith.constant 248 : i32
      %scan3A_124 = arith.addi %scan3A_122, %scan3A_123 : i32
      %scan3A_125 = arith.constant 4 : i32
      %scan3A_126:8 = scf.for %scan3A_468 = %scan3A_122 to %scan3A_124 step %scan3A_125 iter_args(%scan3A_469 = %scan3A_98, %scan3A_470 = %scan3A_99, %scan3A_471 = %scan3A_100, %scan3A_472 = %scan3A_101, %scan3A_473 = %scan3A_102, %scan3A_474 = %scan3A_103, %scan3A_475 = %scan3A_104, %scan3A_476 = %scan3A_105) -> (vector<16xf32>, vector<16xf32>, vector<16xf32>, vector<16xf32>, vector<16xf32>, vector<16xf32>, vector<16xf32>, vector<16xf32>)  : i32 {
        %mul3A_477 = arith.constant 128 : i32
        %mul3A_478 = arith.muli %scan3A_468, %mul3A_477 : i32
        %add3A_479 = arith.constant 0 : i32
        %add3A_480 = arith.addi %mul3A_478, %add3A_479 : i32
        %get3A_481 = arith.constant 0 : i32
        %get3A_482 = tpu.memref_slice %arg4[%scan3A_121, %get3A_481] : memref<2x32000xf32, #tpu.memory_space<vmem>> -> memref<1x32000xf32, #tpu.memory_space<vmem>>
        %get3A_483 = tpu.memref_squeeze %get3A_482 : memref<1x32000xf32, #tpu.memory_space<vmem>> -> memref<32000xf32, #tpu.memory_space<vmem>>
        %get3A_484 = arith.index_cast %add3A_480 : i32 to index
        %get3A_485 = tpu.vector_load %get3A_483[%get3A_484] {strides = array<i32>} : memref<32000xf32, #tpu.memory_space<vmem>>, vector<16xf32>,
        %get3A_486 = vector.shape_cast %get3A_485 : vector<16xf32> to vector<16xf32>
        %add3A_487 = arith.addf %scan3A_469, %get3A_486 : vector<16xf32>
        %add3A_488 = arith.constant 16 : i32
        %add3A_489 = arith.addi %mul3A_478, %add3A_488 : i32
        %get3A_490 = arith.constant 0 : i32
        %get3A_491 = tpu.memref_slice %arg4[%scan3A_121, %get3A_490] : memref<2x32000xf32, #tpu.memory_space<vmem>> -> memref<1x32000xf32, #tpu.memory_space<vmem>>
        %get3A_492 = tpu.memref_squeeze %get3A_491 : memref<1x32000xf32, #tpu.memory_space<vmem>> -> memref<32000xf32, #tpu.memory_space<vmem>>
        %get3A_493 = arith.index_cast %add3A_489 : i32 to index
        %get3A_494 = tpu.vector_load %get3A_492[%get3A_493] {strides = array<i32>} : memref<32000xf32, #tpu.memory_space<vmem>>, vector<16xf32>,
        %get3A_495 = vector.shape_cast %get3A_494 : vector<16xf32> to vector<16xf32>
        %add3A_496 = arith.addf %scan3A_470, %get3A_495 : vector<16xf32>
        %add3A_497 = arith.constant 32 : i32
        %add3A_498 = arith.addi %mul3A_478, %add3A_497 : i32
        %get3A_499 = arith.constant 0 : i32
        %get3A_500 = tpu.memref_slice %arg4[%scan3A_121, %get3A_499] : memref<2x32000xf32, #tpu.memory_space<vmem>> -> memref<1x32000xf32, #tpu.memory_space<vmem>>
        %get3A_501 = tpu.memref_squeeze %get3A_500 : memref<1x32000xf32, #tpu.memory_space<vmem>> -> memref<32000xf32, #tpu.memory_space<vmem>>
        %get3A_502 = arith.index_cast %add3A_498 : i32 to index
        %get3A_503 = tpu.vector_load %get3A_501[%get3A_502] {strides = array<i32>} : memref<32000xf32, #tpu.memory_space<vmem>>, vector<16xf32>,
        %get3A_504 = vector.shape_cast %get3A_503 : vector<16xf32> to vector<16xf32>
        %add3A_505 = arith.addf %scan3A_471, %get3A_504 : vector<16xf32>
        %add3A_506 = arith.constant 48 : i32
        %add3A_507 = arith.addi %mul3A_478, %add3A_506 : i32
        %get3A_508 = arith.constant 0 : i32
        %get3A_509 = tpu.memref_slice %arg4[%scan3A_121, %get3A_508] : memref<2x32000xf32, #tpu.memory_space<vmem>> -> memref<1x32000xf32, #tpu.memory_space<vmem>>
        %get3A_510 = tpu.memref_squeeze %get3A_509 : memref<1x32000xf32, #tpu.memory_space<vmem>> -> memref<32000xf32, #tpu.memory_space<vmem>>
        %get3A_511 = arith.index_cast %add3A_507 : i32 to index
        %get3A_512 = tpu.vector_load %get3A_510[%get3A_511] {strides = array<i32>} : memref<32000xf32, #tpu.memory_space<vmem>>, vector<16xf32>,
        %get3A_513 = vector.shape_cast %get3A_512 : vector<16xf32> to vector<16xf32>
        %add3A_514 = arith.addf %scan3A_472, %get3A_513 : vector<16xf32>
        %add3A_515 = arith.constant 64 : i32
        %add3A_516 = arith.addi %mul3A_478, %add3A_515 : i32
        %get3A_517 = arith.constant 0 : i32
        %get3A_518 = tpu.memref_slice %arg4[%scan3A_121, %get3A_517] : memref<2x32000xf32, #tpu.memory_space<vmem>> -> memref<1x32000xf32, #tpu.memory_space<vmem>>
        %get3A_519 = tpu.memref_squeeze %get3A_518 : memref<1x32000xf32, #tpu.memory_space<vmem>> -> memref<32000xf32, #tpu.memory_space<vmem>>
        %get3A_520 = arith.index_cast %add3A_516 : i32 to index
        %get3A_521 = tpu.vector_load %get3A_519[%get3A_520] {strides = array<i32>} : memref<32000xf32, #tpu.memory_space<vmem>>, vector<16xf32>,
        %get3A_522 = vector.shape_cast %get3A_521 : vector<16xf32> to vector<16xf32>
        %add3A_523 = arith.addf %scan3A_473, %get3A_522 : vector<16xf32>
        %add3A_524 = arith.constant 80 : i32
        %add3A_525 = arith.addi %mul3A_478, %add3A_524 : i32
        %get3A_526 = arith.constant 0 : i32
        %get3A_527 = tpu.memref_slice %arg4[%scan3A_121, %get3A_526] : memref<2x32000xf32, #tpu.memory_space<vmem>> -> memref<1x32000xf32, #tpu.memory_space<vmem>>
        %get3A_528 = tpu.memref_squeeze %get3A_527 : memref<1x32000xf32, #tpu.memory_space<vmem>> -> memref<32000xf32, #tpu.memory_space<vmem>>
        %get3A_529 = arith.index_cast %add3A_525 : i32 to index
        %get3A_530 = tpu.vector_load %get3A_528[%get3A_529] {strides = array<i32>} : memref<32000xf32, #tpu.memory_space<vmem>>, vector<16xf32>,
        %get3A_531 = vector.shape_cast %get3A_530 : vector<16xf32> to vector<16xf32>
        %add3A_532 = arith.addf %scan3A_474, %get3A_531 : vector<16xf32>
        %add3A_533 = arith.constant 96 : i32
        %add3A_534 = arith.addi %mul3A_478, %add3A_533 : i32
        %get3A_535 = arith.constant 0 : i32
        %get3A_536 = tpu.memref_slice %arg4[%scan3A_121, %get3A_535] : memref<2x32000xf32, #tpu.memory_space<vmem>> -> memref<1x32000xf32, #tpu.memory_space<vmem>>
        %get3A_537 = tpu.memref_squeeze %get3A_536 : memref<1x32000xf32, #tpu.memory_space<vmem>> -> memref<32000xf32, #tpu.memory_space<vmem>>
        %get3A_538 = arith.index_cast %add3A_534 : i32 to index
        %get3A_539 = tpu.vector_load %get3A_537[%get3A_538] {strides = array<i32>} : memref<32000xf32, #tpu.memory_space<vmem>>, vector<16xf32>,
        %get3A_540 = vector.shape_cast %get3A_539 : vector<16xf32> to vector<16xf32>
        %add3A_541 = arith.addf %scan3A_475, %get3A_540 : vector<16xf32>
        %add3A_542 = arith.constant 112 : i32
        %add3A_543 = arith.addi %mul3A_478, %add3A_542 : i32
        %get3A_544 = arith.constant 0 : i32
        %get3A_545 = tpu.memref_slice %arg4[%scan3A_121, %get3A_544] : memref<2x32000xf32, #tpu.memory_space<vmem>> -> memref<1x32000xf32, #tpu.memory_space<vmem>>
        %get3A_546 = tpu.memref_squeeze %get3A_545 : memref<1x32000xf32, #tpu.memory_space<vmem>> -> memref<32000xf32, #tpu.memory_space<vmem>>
        %get3A_547 = arith.index_cast %add3A_543 : i32 to index
        %get3A_548 = tpu.vector_load %get3A_546[%get3A_547] {strides = array<i32>} : memref<32000xf32, #tpu.memory_space<vmem>>, vector<16xf32>,
        %get3A_549 = vector.shape_cast %get3A_548 : vector<16xf32> to vector<16xf32>
        %add3A_550 = arith.addf %scan3A_476, %get3A_549 : vector<16xf32>
        %scan3A_551 = arith.constant 1 : i32
        %scan3A_552 = arith.addi %scan3A_468, %scan3A_551 : i32
        %mul3A_553 = arith.constant 128 : i32
        %mul3A_554 = arith.muli %scan3A_552, %mul3A_553 : i32
        %add3A_555 = arith.constant 0 : i32
        %add3A_556 = arith.addi %mul3A_554, %add3A_555 : i32
        %get3A_557 = arith.constant 0 : i32
        %get3A_558 = tpu.memref_slice %arg4[%scan3A_121, %get3A_557] : memref<2x32000xf32, #tpu.memory_space<vmem>> -> memref<1x32000xf32, #tpu.memory_space<vmem>>
        %get3A_559 = tpu.memref_squeeze %get3A_558 : memref<1x32000xf32, #tpu.memory_space<vmem>> -> memref<32000xf32, #tpu.memory_space<vmem>>
        %get3A_560 = arith.index_cast %add3A_556 : i32 to index
        %get3A_561 = tpu.vector_load %get3A_559[%get3A_560] {strides = array<i32>} : memref<32000xf32, #tpu.memory_space<vmem>>, vector<16xf32>,
        %get3A_562 = vector.shape_cast %get3A_561 : vector<16xf32> to vector<16xf32>
        %add3A_563 = arith.addf %add3A_487, %get3A_562 : vector<16xf32>
        %add3A_564 = arith.constant 16 : i32
        %add3A_565 = arith.addi %mul3A_554, %add3A_564 : i32
        %get3A_566 = arith.constant 0 : i32
        %get3A_567 = tpu.memref_slice %arg4[%scan3A_121, %get3A_566] : memref<2x32000xf32, #tpu.memory_space<vmem>> -> memref<1x32000xf32, #tpu.memory_space<vmem>>
        %get3A_568 = tpu.memref_squeeze %get3A_567 : memref<1x32000xf32, #tpu.memory_space<vmem>> -> memref<32000xf32, #tpu.memory_space<vmem>>
        %get3A_569 = arith.index_cast %add3A_565 : i32 to index
        %get3A_570 = tpu.vector_load %get3A_568[%get3A_569] {strides = array<i32>} : memref<32000xf32, #tpu.memory_space<vmem>>, vector<16xf32>,
        %get3A_571 = vector.shape_cast %get3A_570 : vector<16xf32> to vector<16xf32>
        %add3A_572 = arith.addf %add3A_496, %get3A_571 : vector<16xf32>
        %add3A_573 = arith.constant 32 : i32
        %add3A_574 = arith.addi %mul3A_554, %add3A_573 : i32
        %get3A_575 = arith.constant 0 : i32
        %get3A_576 = tpu.memref_slice %arg4[%scan3A_121, %get3A_575] : memref<2x32000xf32, #tpu.memory_space<vmem>> -> memref<1x32000xf32, #tpu.memory_space<vmem>>
        %get3A_577 = tpu.memref_squeeze %get3A_576 : memref<1x32000xf32, #tpu.memory_space<vmem>> -> memref<32000xf32, #tpu.memory_space<vmem>>
        %get3A_578 = arith.index_cast %add3A_574 : i32 to index
        %get3A_579 = tpu.vector_load %get3A_577[%get3A_578] {strides = array<i32>} : memref<32000xf32, #tpu.memory_space<vmem>>, vector<16xf32>,
        %get3A_580 = vector.shape_cast %get3A_579 : vector<16xf32> to vector<16xf32>
        %add3A_581 = arith.addf %add3A_505, %get3A_580 : vector<16xf32>
        %add3A_582 = arith.constant 48 : i32
        %add3A_583 = arith.addi %mul3A_554, %add3A_582 : i32
        %get3A_584 = arith.constant 0 : i32
        %get3A_585 = tpu.memref_slice %arg4[%scan3A_121, %get3A_584] : memref<2x32000xf32, #tpu.memory_space<vmem>> -> memref<1x32000xf32, #tpu.memory_space<vmem>>
        %get3A_586 = tpu.memref_squeeze %get3A_585 : memref<1x32000xf32, #tpu.memory_space<vmem>> -> memref<32000xf32, #tpu.memory_space<vmem>>
        %get3A_587 = arith.index_cast %add3A_583 : i32 to index
        %get3A_588 = tpu.vector_load %get3A_586[%get3A_587] {strides = array<i32>} : memref<32000xf32, #tpu.memory_space<vmem>>, vector<16xf32>,
        %get3A_589 = vector.shape_cast %get3A_588 : vector<16xf32> to vector<16xf32>
        %add3A_590 = arith.addf %add3A_514, %get3A_589 : vector<16xf32>
        %add3A_591 = arith.constant 64 : i32
        %add3A_592 = arith.addi %mul3A_554, %add3A_591 : i32
        %get3A_593 = arith.constant 0 : i32
        %get3A_594 = tpu.memref_slice %arg4[%scan3A_121, %get3A_593] : memref<2x32000xf32, #tpu.memory_space<vmem>> -> memref<1x32000xf32, #tpu.memory_space<vmem>>
        %get3A_595 = tpu.memref_squeeze %get3A_594 : memref<1x32000xf32, #tpu.memory_space<vmem>> -> memref<32000xf32, #tpu.memory_space<vmem>>
        %get3A_596 = arith.index_cast %add3A_592 : i32 to index
        %get3A_597 = tpu.vector_load %get3A_595[%get3A_596] {strides = array<i32>} : memref<32000xf32, #tpu.memory_space<vmem>>, vector<16xf32>,
        %get3A_598 = vector.shape_cast %get3A_597 : vector<16xf32> to vector<16xf32>
        %add3A_599 = arith.addf %add3A_523, %get3A_598 : vector<16xf32>
        %add3A_600 = arith.constant 80 : i32
        %add3A_601 = arith.addi %mul3A_554, %add3A_600 : i32
        %get3A_602 = arith.constant 0 : i32
        %get3A_603 = tpu.memref_slice %arg4[%scan3A_121, %get3A_602] : memref<2x32000xf32, #tpu.memory_space<vmem>> -> memref<1x32000xf32, #tpu.memory_space<vmem>>
        %get3A_604 = tpu.memref_squeeze %get3A_603 : memref<1x32000xf32, #tpu.memory_space<vmem>> -> memref<32000xf32, #tpu.memory_space<vmem>>
        %get3A_605 = arith.index_cast %add3A_601 : i32 to index
        %get3A_606 = tpu.vector_load %get3A_604[%get3A_605] {strides = array<i32>} : memref<32000xf32, #tpu.memory_space<vmem>>, vector<16xf32>,
        %get3A_607 = vector.shape_cast %get3A_606 : vector<16xf32> to vector<16xf32>
        %add3A_608 = arith.addf %add3A_532, %get3A_607 : vector<16xf32>
        %add3A_609 = arith.constant 96 : i32
        %add3A_610 = arith.addi %mul3A_554, %add3A_609 : i32
        %get3A_611 = arith.constant 0 : i32
        %get3A_612 = tpu.memref_slice %arg4[%scan3A_121, %get3A_611] : memref<2x32000xf32, #tpu.memory_space<vmem>> -> memref<1x32000xf32, #tpu.memory_space<vmem>>
        %get3A_613 = tpu.memref_squeeze %get3A_612 : memref<1x32000xf32, #tpu.memory_space<vmem>> -> memref<32000xf32, #tpu.memory_space<vmem>>
        %get3A_614 = arith.index_cast %add3A_610 : i32 to index
        %get3A_615 = tpu.vector_load %get3A_613[%get3A_614] {strides = array<i32>} : memref<32000xf32, #tpu.memory_space<vmem>>, vector<16xf32>,
        %get3A_616 = vector.shape_cast %get3A_615 : vector<16xf32> to vector<16xf32>
        %add3A_617 = arith.addf %add3A_541, %get3A_616 : vector<16xf32>
        %add3A_618 = arith.constant 112 : i32
        %add3A_619 = arith.addi %mul3A_554, %add3A_618 : i32
        %get3A_620 = arith.constant 0 : i32
        %get3A_621 = tpu.memref_slice %arg4[%scan3A_121, %get3A_620] : memref<2x32000xf32, #tpu.memory_space<vmem>> -> memref<1x32000xf32, #tpu.memory_space<vmem>>
        %get3A_622 = tpu.memref_squeeze %get3A_621 : memref<1x32000xf32, #tpu.memory_space<vmem>> -> memref<32000xf32, #tpu.memory_space<vmem>>
        %get3A_623 = arith.index_cast %add3A_619 : i32 to index
        %get3A_624 = tpu.vector_load %get3A_622[%get3A_623] {strides = array<i32>} : memref<32000xf32, #tpu.memory_space<vmem>>, vector<16xf32>,
        %get3A_625 = vector.shape_cast %get3A_624 : vector<16xf32> to vector<16xf32>
        %add3A_626 = arith.addf %add3A_550, %get3A_625 : vector<16xf32>
        %scan3A_627 = arith.constant 2 : i32
        %scan3A_628 = arith.addi %scan3A_468, %scan3A_627 : i32
        %mul3A_629 = arith.constant 128 : i32
        %mul3A_630 = arith.muli %scan3A_628, %mul3A_629 : i32
        %add3A_631 = arith.constant 0 : i32
        %add3A_632 = arith.addi %mul3A_630, %add3A_631 : i32
        %get3A_633 = arith.constant 0 : i32
        %get3A_634 = tpu.memref_slice %arg4[%scan3A_121, %get3A_633] : memref<2x32000xf32, #tpu.memory_space<vmem>> -> memref<1x32000xf32, #tpu.memory_space<vmem>>
        %get3A_635 = tpu.memref_squeeze %get3A_634 : memref<1x32000xf32, #tpu.memory_space<vmem>> -> memref<32000xf32, #tpu.memory_space<vmem>>
        %get3A_636 = arith.index_cast %add3A_632 : i32 to index
        %get3A_637 = tpu.vector_load %get3A_635[%get3A_636] {strides = array<i32>} : memref<32000xf32, #tpu.memory_space<vmem>>, vector<16xf32>,
        %get3A_638 = vector.shape_cast %get3A_637 : vector<16xf32> to vector<16xf32>
        %add3A_639 = arith.addf %add3A_563, %get3A_638 : vector<16xf32>
        %add3A_640 = arith.constant 16 : i32
        %add3A_641 = arith.addi %mul3A_630, %add3A_640 : i32
        %get3A_642 = arith.constant 0 : i32
        %get3A_643 = tpu.memref_slice %arg4[%scan3A_121, %get3A_642] : memref<2x32000xf32, #tpu.memory_space<vmem>> -> memref<1x32000xf32, #tpu.memory_space<vmem>>
        %get3A_644 = tpu.memref_squeeze %get3A_643 : memref<1x32000xf32, #tpu.memory_space<vmem>> -> memref<32000xf32, #tpu.memory_space<vmem>>
        %get3A_645 = arith.index_cast %add3A_641 : i32 to index
        %get3A_646 = tpu.vector_load %get3A_644[%get3A_645] {strides = array<i32>} : memref<32000xf32, #tpu.memory_space<vmem>>, vector<16xf32>,
        %get3A_647 = vector.shape_cast %get3A_646 : vector<16xf32> to vector<16xf32>
        %add3A_648 = arith.addf %add3A_572, %get3A_647 : vector<16xf32>
        %add3A_649 = arith.constant 32 : i32
        %add3A_650 = arith.addi %mul3A_630, %add3A_649 : i32
        %get3A_651 = arith.constant 0 : i32
        %get3A_652 = tpu.memref_slice %arg4[%scan3A_121, %get3A_651] : memref<2x32000xf32, #tpu.memory_space<vmem>> -> memref<1x32000xf32, #tpu.memory_space<vmem>>
        %get3A_653 = tpu.memref_squeeze %get3A_652 : memref<1x32000xf32, #tpu.memory_space<vmem>> -> memref<32000xf32, #tpu.memory_space<vmem>>
        %get3A_654 = arith.index_cast %add3A_650 : i32 to index
        %get3A_655 = tpu.vector_load %get3A_653[%get3A_654] {strides = array<i32>} : memref<32000xf32, #tpu.memory_space<vmem>>, vector<16xf32>,
        %get3A_656 = vector.shape_cast %get3A_655 : vector<16xf32> to vector<16xf32>
        %add3A_657 = arith.addf %add3A_581, %get3A_656 : vector<16xf32>
        %add3A_658 = arith.constant 48 : i32
        %add3A_659 = arith.addi %mul3A_630, %add3A_658 : i32
        %get3A_660 = arith.constant 0 : i32
        %get3A_661 = tpu.memref_slice %arg4[%scan3A_121, %get3A_660] : memref<2x32000xf32, #tpu.memory_space<vmem>> -> memref<1x32000xf32, #tpu.memory_space<vmem>>
        %get3A_662 = tpu.memref_squeeze %get3A_661 : memref<1x32000xf32, #tpu.memory_space<vmem>> -> memref<32000xf32, #tpu.memory_space<vmem>>
        %get3A_663 = arith.index_cast %add3A_659 : i32 to index
        %get3A_664 = tpu.vector_load %get3A_662[%get3A_663] {strides = array<i32>} : memref<32000xf32, #tpu.memory_space<vmem>>, vector<16xf32>,
        %get3A_665 = vector.shape_cast %get3A_664 : vector<16xf32> to vector<16xf32>
        %add3A_666 = arith.addf %add3A_590, %get3A_665 : vector<16xf32>
        %add3A_667 = arith.constant 64 : i32
        %add3A_668 = arith.addi %mul3A_630, %add3A_667 : i32
        %get3A_669 = arith.constant 0 : i32
        %get3A_670 = tpu.memref_slice %arg4[%scan3A_121, %get3A_669] : memref<2x32000xf32, #tpu.memory_space<vmem>> -> memref<1x32000xf32, #tpu.memory_space<vmem>>
        %get3A_671 = tpu.memref_squeeze %get3A_670 : memref<1x32000xf32, #tpu.memory_space<vmem>> -> memref<32000xf32, #tpu.memory_space<vmem>>
        %get3A_672 = arith.index_cast %add3A_668 : i32 to index
        %get3A_673 = tpu.vector_load %get3A_671[%get3A_672] {strides = array<i32>} : memref<32000xf32, #tpu.memory_space<vmem>>, vector<16xf32>,
        %get3A_674 = vector.shape_cast %get3A_673 : vector<16xf32> to vector<16xf32>
        %add3A_675 = arith.addf %add3A_599, %get3A_674 : vector<16xf32>
        %add3A_676 = arith.constant 80 : i32
        %add3A_677 = arith.addi %mul3A_630, %add3A_676 : i32
        %get3A_678 = arith.constant 0 : i32
        %get3A_679 = tpu.memref_slice %arg4[%scan3A_121, %get3A_678] : memref<2x32000xf32, #tpu.memory_space<vmem>> -> memref<1x32000xf32, #tpu.memory_space<vmem>>
        %get3A_680 = tpu.memref_squeeze %get3A_679 : memref<1x32000xf32, #tpu.memory_space<vmem>> -> memref<32000xf32, #tpu.memory_space<vmem>>
        %get3A_681 = arith.index_cast %add3A_677 : i32 to index
        %get3A_682 = tpu.vector_load %get3A_680[%get3A_681] {strides = array<i32>} : memref<32000xf32, #tpu.memory_space<vmem>>, vector<16xf32>,
        %get3A_683 = vector.shape_cast %get3A_682 : vector<16xf32> to vector<16xf32>
        %add3A_684 = arith.addf %add3A_608, %get3A_683 : vector<16xf32>
        %add3A_685 = arith.constant 96 : i32
        %add3A_686 = arith.addi %mul3A_630, %add3A_685 : i32
        %get3A_687 = arith.constant 0 : i32
        %get3A_688 = tpu.memref_slice %arg4[%scan3A_121, %get3A_687] : memref<2x32000xf32, #tpu.memory_space<vmem>> -> memref<1x32000xf32, #tpu.memory_space<vmem>>
        %get3A_689 = tpu.memref_squeeze %get3A_688 : memref<1x32000xf32, #tpu.memory_space<vmem>> -> memref<32000xf32, #tpu.memory_space<vmem>>
        %get3A_690 = arith.index_cast %add3A_686 : i32 to index
        %get3A_691 = tpu.vector_load %get3A_689[%get3A_690] {strides = array<i32>} : memref<32000xf32, #tpu.memory_space<vmem>>, vector<16xf32>,
        %get3A_692 = vector.shape_cast %get3A_691 : vector<16xf32> to vector<16xf32>
        %add3A_693 = arith.addf %add3A_617, %get3A_692 : vector<16xf32>
        %add3A_694 = arith.constant 112 : i32
        %add3A_695 = arith.addi %mul3A_630, %add3A_694 : i32
        %get3A_696 = arith.constant 0 : i32
        %get3A_697 = tpu.memref_slice %arg4[%scan3A_121, %get3A_696] : memref<2x32000xf32, #tpu.memory_space<vmem>> -> memref<1x32000xf32, #tpu.memory_space<vmem>>
        %get3A_698 = tpu.memref_squeeze %get3A_697 : memref<1x32000xf32, #tpu.memory_space<vmem>> -> memref<32000xf32, #tpu.memory_space<vmem>>
        %get3A_699 = arith.index_cast %add3A_695 : i32 to index
        %get3A_700 = tpu.vector_load %get3A_698[%get3A_699] {strides = array<i32>} : memref<32000xf32, #tpu.memory_space<vmem>>, vector<16xf32>,
        %get3A_701 = vector.shape_cast %get3A_700 : vector<16xf32> to vector<16xf32>
        %add3A_702 = arith.addf %add3A_626, %get3A_701 : vector<16xf32>
        %scan3A_703 = arith.constant 3 : i32
        %scan3A_704 = arith.addi %scan3A_468, %scan3A_703 : i32
        %mul3A_705 = arith.constant 128 : i32
        %mul3A_706 = arith.muli %scan3A_704, %mul3A_705 : i32
        %add3A_707 = arith.constant 0 : i32
        %add3A_708 = arith.addi %mul3A_706, %add3A_707 : i32
        %get3A_709 = arith.constant 0 : i32
        %get3A_710 = tpu.memref_slice %arg4[%scan3A_121, %get3A_709] : memref<2x32000xf32, #tpu.memory_space<vmem>> -> memref<1x32000xf32, #tpu.memory_space<vmem>>
        %get3A_711 = tpu.memref_squeeze %get3A_710 : memref<1x32000xf32, #tpu.memory_space<vmem>> -> memref<32000xf32, #tpu.memory_space<vmem>>
        %get3A_712 = arith.index_cast %add3A_708 : i32 to index
        %get3A_713 = tpu.vector_load %get3A_711[%get3A_712] {strides = array<i32>} : memref<32000xf32, #tpu.memory_space<vmem>>, vector<16xf32>,
        %get3A_714 = vector.shape_cast %get3A_713 : vector<16xf32> to vector<16xf32>
        %add3A_715 = arith.addf %add3A_639, %get3A_714 : vector<16xf32>
        %add3A_716 = arith.constant 16 : i32
        %add3A_717 = arith.addi %mul3A_706, %add3A_716 : i32
        %get3A_718 = arith.constant 0 : i32
        %get3A_719 = tpu.memref_slice %arg4[%scan3A_121, %get3A_718] : memref<2x32000xf32, #tpu.memory_space<vmem>> -> memref<1x32000xf32, #tpu.memory_space<vmem>>
        %get3A_720 = tpu.memref_squeeze %get3A_719 : memref<1x32000xf32, #tpu.memory_space<vmem>> -> memref<32000xf32, #tpu.memory_space<vmem>>
        %get3A_721 = arith.index_cast %add3A_717 : i32 to index
        %get3A_722 = tpu.vector_load %get3A_720[%get3A_721] {strides = array<i32>} : memref<32000xf32, #tpu.memory_space<vmem>>, vector<16xf32>,
        %get3A_723 = vector.shape_cast %get3A_722 : vector<16xf32> to vector<16xf32>
        %add3A_724 = arith.addf %add3A_648, %get3A_723 : vector<16xf32>
        %add3A_725 = arith.constant 32 : i32
        %add3A_726 = arith.addi %mul3A_706, %add3A_725 : i32
        %get3A_727 = arith.constant 0 : i32
        %get3A_728 = tpu.memref_slice %arg4[%scan3A_121, %get3A_727] : memref<2x32000xf32, #tpu.memory_space<vmem>> -> memref<1x32000xf32, #tpu.memory_space<vmem>>
        %get3A_729 = tpu.memref_squeeze %get3A_728 : memref<1x32000xf32, #tpu.memory_space<vmem>> -> memref<32000xf32, #tpu.memory_space<vmem>>
        %get3A_730 = arith.index_cast %add3A_726 : i32 to index
        %get3A_731 = tpu.vector_load %get3A_729[%get3A_730] {strides = array<i32>} : memref<32000xf32, #tpu.memory_space<vmem>>, vector<16xf32>,
        %get3A_732 = vector.shape_cast %get3A_731 : vector<16xf32> to vector<16xf32>
        %add3A_733 = arith.addf %add3A_657, %get3A_732 : vector<16xf32>
        %add3A_734 = arith.constant 48 : i32
        %add3A_735 = arith.addi %mul3A_706, %add3A_734 : i32
        %get3A_736 = arith.constant 0 : i32
        %get3A_737 = tpu.memref_slice %arg4[%scan3A_121, %get3A_736] : memref<2x32000xf32, #tpu.memory_space<vmem>> -> memref<1x32000xf32, #tpu.memory_space<vmem>>
        %get3A_738 = tpu.memref_squeeze %get3A_737 : memref<1x32000xf32, #tpu.memory_space<vmem>> -> memref<32000xf32, #tpu.memory_space<vmem>>
        %get3A_739 = arith.index_cast %add3A_735 : i32 to index
        %get3A_740 = tpu.vector_load %get3A_738[%get3A_739] {strides = array<i32>} : memref<32000xf32, #tpu.memory_space<vmem>>, vector<16xf32>,
        %get3A_741 = vector.shape_cast %get3A_740 : vector<16xf32> to vector<16xf32>
        %add3A_742 = arith.addf %add3A_666, %get3A_741 : vector<16xf32>
        %add3A_743 = arith.constant 64 : i32
        %add3A_744 = arith.addi %mul3A_706, %add3A_743 : i32
        %get3A_745 = arith.constant 0 : i32
        %get3A_746 = tpu.memref_slice %arg4[%scan3A_121, %get3A_745] : memref<2x32000xf32, #tpu.memory_space<vmem>> -> memref<1x32000xf32, #tpu.memory_space<vmem>>
        %get3A_747 = tpu.memref_squeeze %get3A_746 : memref<1x32000xf32, #tpu.memory_space<vmem>> -> memref<32000xf32, #tpu.memory_space<vmem>>
        %get3A_748 = arith.index_cast %add3A_744 : i32 to index
        %get3A_749 = tpu.vector_load %get3A_747[%get3A_748] {strides = array<i32>} : memref<32000xf32, #tpu.memory_space<vmem>>, vector<16xf32>,
        %get3A_750 = vector.shape_cast %get3A_749 : vector<16xf32> to vector<16xf32>
        %add3A_751 = arith.addf %add3A_675, %get3A_750 : vector<16xf32>
        %add3A_752 = arith.constant 80 : i32
        %add3A_753 = arith.addi %mul3A_706, %add3A_752 : i32
        %get3A_754 = arith.constant 0 : i32
        %get3A_755 = tpu.memref_slice %arg4[%scan3A_121, %get3A_754] : memref<2x32000xf32, #tpu.memory_space<vmem>> -> memref<1x32000xf32, #tpu.memory_space<vmem>>
        %get3A_756 = tpu.memref_squeeze %get3A_755 : memref<1x32000xf32, #tpu.memory_space<vmem>> -> memref<32000xf32, #tpu.memory_space<vmem>>
        %get3A_757 = arith.index_cast %add3A_753 : i32 to index
        %get3A_758 = tpu.vector_load %get3A_756[%get3A_757] {strides = array<i32>} : memref<32000xf32, #tpu.memory_space<vmem>>, vector<16xf32>,
        %get3A_759 = vector.shape_cast %get3A_758 : vector<16xf32> to vector<16xf32>
        %add3A_760 = arith.addf %add3A_684, %get3A_759 : vector<16xf32>
        %add3A_761 = arith.constant 96 : i32
        %add3A_762 = arith.addi %mul3A_706, %add3A_761 : i32
        %get3A_763 = arith.constant 0 : i32
        %get3A_764 = tpu.memref_slice %arg4[%scan3A_121, %get3A_763] : memref<2x32000xf32, #tpu.memory_space<vmem>> -> memref<1x32000xf32, #tpu.memory_space<vmem>>
        %get3A_765 = tpu.memref_squeeze %get3A_764 : memref<1x32000xf32, #tpu.memory_space<vmem>> -> memref<32000xf32, #tpu.memory_space<vmem>>
        %get3A_766 = arith.index_cast %add3A_762 : i32 to index
        %get3A_767 = tpu.vector_load %get3A_765[%get3A_766] {strides = array<i32>} : memref<32000xf32, #tpu.memory_space<vmem>>, vector<16xf32>,
        %get3A_768 = vector.shape_cast %get3A_767 : vector<16xf32> to vector<16xf32>
        %add3A_769 = arith.addf %add3A_693, %get3A_768 : vector<16xf32>
        %add3A_770 = arith.constant 112 : i32
        %add3A_771 = arith.addi %mul3A_706, %add3A_770 : i32
        %get3A_772 = arith.constant 0 : i32
        %get3A_773 = tpu.memref_slice %arg4[%scan3A_121, %get3A_772] : memref<2x32000xf32, #tpu.memory_space<vmem>> -> memref<1x32000xf32, #tpu.memory_space<vmem>>
        %get3A_774 = tpu.memref_squeeze %get3A_773 : memref<1x32000xf32, #tpu.memory_space<vmem>> -> memref<32000xf32, #tpu.memory_space<vmem>>
        %get3A_775 = arith.index_cast %add3A_771 : i32 to index
        %get3A_776 = tpu.vector_load %get3A_774[%get3A_775] {strides = array<i32>} : memref<32000xf32, #tpu.memory_space<vmem>>, vector<16xf32>,
        %get3A_777 = vector.shape_cast %get3A_776 : vector<16xf32> to vector<16xf32>
        %add3A_778 = arith.addf %add3A_702, %get3A_777 : vector<16xf32>
        scf.yield %add3A_715, %add3A_724, %add3A_733, %add3A_742, %add3A_751, %add3A_760, %add3A_769, %add3A_778 : vector<16xf32>, vector<16xf32>, vector<16xf32>, vector<16xf32>, vector<16xf32>, vector<16xf32>, vector<16xf32>, vector<16xf32>
      }
      %scan3A_127 = arith.constant 248 : i32
      %scan3A_128 = arith.addi %scan3A_122, %scan3A_127 : i32
      %mul3A_129 = arith.constant 128 : i32
      %mul3A_130 = arith.muli %scan3A_128, %mul3A_129 : i32
      %add3A_131 = arith.constant 0 : i32
      %add3A_132 = arith.addi %mul3A_130, %add3A_131 : i32
      %get3A = arith.constant 0 : i32
      %get3A_133 = tpu.memref_slice %arg4[%scan3A_121, %get3A] : memref<2x32000xf32, #tpu.memory_space<vmem>> -> memref<1x32000xf32, #tpu.memory_space<vmem>>
      %get3A_134 = tpu.memref_squeeze %get3A_133 : memref<1x32000xf32, #tpu.memory_space<vmem>> -> memref<32000xf32, #tpu.memory_space<vmem>>
      %get3A_135 = arith.index_cast %add3A_132 : i32 to index
      %get3A_136 = tpu.vector_load %get3A_134[%get3A_135] {strides = array<i32>} : memref<32000xf32, #tpu.memory_space<vmem>>, vector<16xf32>,
      %get3A_137 = vector.shape_cast %get3A_136 : vector<16xf32> to vector<16xf32>
      %add3A_138 = arith.addf %scan3A_126#0, %get3A_137 : vector<16xf32>
      %add3A_139 = arith.constant 16 : i32
      %add3A_140 = arith.addi %mul3A_130, %add3A_139 : i32
      %get3A_141 = arith.constant 0 : i32
      %get3A_142 = tpu.memref_slice %arg4[%scan3A_121, %get3A_141] : memref<2x32000xf32, #tpu.memory_space<vmem>> -> memref<1x32000xf32, #tpu.memory_space<vmem>>
      %get3A_143 = tpu.memref_squeeze %get3A_142 : memref<1x32000xf32, #tpu.memory_space<vmem>> -> memref<32000xf32, #tpu.memory_space<vmem>>
      %get3A_144 = arith.index_cast %add3A_140 : i32 to index
      %get3A_145 = tpu.vector_load %get3A_143[%get3A_144] {strides = array<i32>} : memref<32000xf32, #tpu.memory_space<vmem>>, vector<16xf32>,
      %get3A_146 = vector.shape_cast %get3A_145 : vector<16xf32> to vector<16xf32>
      %add3A_147 = arith.addf %scan3A_126#1, %get3A_146 : vector<16xf32>
      %add3A_148 = arith.constant 32 : i32
      %add3A_149 = arith.addi %mul3A_130, %add3A_148 : i32
      %get3A_150 = arith.constant 0 : i32
      %get3A_151 = tpu.memref_slice %arg4[%scan3A_121, %get3A_150] : memref<2x32000xf32, #tpu.memory_space<vmem>> -> memref<1x32000xf32, #tpu.memory_space<vmem>>
      %get3A_152 = tpu.memref_squeeze %get3A_151 : memref<1x32000xf32, #tpu.memory_space<vmem>> -> memref<32000xf32, #tpu.memory_space<vmem>>
      %get3A_153 = arith.index_cast %add3A_149 : i32 to index
      %get3A_154 = tpu.vector_load %get3A_152[%get3A_153] {strides = array<i32>} : memref<32000xf32, #tpu.memory_space<vmem>>, vector<16xf32>,
      %get3A_155 = vector.shape_cast %get3A_154 : vector<16xf32> to vector<16xf32>
      %add3A_156 = arith.addf %scan3A_126#2, %get3A_155 : vector<16xf32>
      %add3A_157 = arith.constant 48 : i32
      %add3A_158 = arith.addi %mul3A_130, %add3A_157 : i32
      %get3A_159 = arith.constant 0 : i32
      %get3A_160 = tpu.memref_slice %arg4[%scan3A_121, %get3A_159] : memref<2x32000xf32, #tpu.memory_space<vmem>> -> memref<1x32000xf32, #tpu.memory_space<vmem>>
      %get3A_161 = tpu.memref_squeeze %get3A_160 : memref<1x32000xf32, #tpu.memory_space<vmem>> -> memref<32000xf32, #tpu.memory_space<vmem>>
      %get3A_162 = arith.index_cast %add3A_158 : i32 to index
      %get3A_163 = tpu.vector_load %get3A_161[%get3A_162] {strides = array<i32>} : memref<32000xf32, #tpu.memory_space<vmem>>, vector<16xf32>,
      %get3A_164 = vector.shape_cast %get3A_163 : vector<16xf32> to vector<16xf32>
      %add3A_165 = arith.addf %scan3A_126#3, %get3A_164 : vector<16xf32>
      %add3A_166 = arith.constant 64 : i32
      %add3A_167 = arith.addi %mul3A_130, %add3A_166 : i32
      %get3A_168 = arith.constant 0 : i32
      %get3A_169 = tpu.memref_slice %arg4[%scan3A_121, %get3A_168] : memref<2x32000xf32, #tpu.memory_space<vmem>> -> memref<1x32000xf32, #tpu.memory_space<vmem>>
      %get3A_170 = tpu.memref_squeeze %get3A_169 : memref<1x32000xf32, #tpu.memory_space<vmem>> -> memref<32000xf32, #tpu.memory_space<vmem>>
      %get3A_171 = arith.index_cast %add3A_167 : i32 to index
      %get3A_172 = tpu.vector_load %get3A_170[%get3A_171] {strides = array<i32>} : memref<32000xf32, #tpu.memory_space<vmem>>, vector<16xf32>,
      %get3A_173 = vector.shape_cast %get3A_172 : vector<16xf32> to vector<16xf32>
      %add3A_174 = arith.addf %scan3A_126#4, %get3A_173 : vector<16xf32>
      %add3A_175 = arith.constant 80 : i32
      %add3A_176 = arith.addi %mul3A_130, %add3A_175 : i32
      %get3A_177 = arith.constant 0 : i32
      %get3A_178 = tpu.memref_slice %arg4[%scan3A_121, %get3A_177] : memref<2x32000xf32, #tpu.memory_space<vmem>> -> memref<1x32000xf32, #tpu.memory_space<vmem>>
      %get3A_179 = tpu.memref_squeeze %get3A_178 : memref<1x32000xf32, #tpu.memory_space<vmem>> -> memref<32000xf32, #tpu.memory_space<vmem>>
      %get3A_180 = arith.index_cast %add3A_176 : i32 to index
      %get3A_181 = tpu.vector_load %get3A_179[%get3A_180] {strides = array<i32>} : memref<32000xf32, #tpu.memory_space<vmem>>, vector<16xf32>,
      %get3A_182 = vector.shape_cast %get3A_181 : vector<16xf32> to vector<16xf32>
      %add3A_183 = arith.addf %scan3A_126#5, %get3A_182 : vector<16xf32>
      %add3A_184 = arith.constant 96 : i32
      %add3A_185 = arith.addi %mul3A_130, %add3A_184 : i32
      %get3A_186 = arith.constant 0 : i32
      %get3A_187 = tpu.memref_slice %arg4[%scan3A_121, %get3A_186] : memref<2x32000xf32, #tpu.memory_space<vmem>> -> memref<1x32000xf32, #tpu.memory_space<vmem>>
      %get3A_188 = tpu.memref_squeeze %get3A_187 : memref<1x32000xf32, #tpu.memory_space<vmem>> -> memref<32000xf32, #tpu.memory_space<vmem>>
      %get3A_189 = arith.index_cast %add3A_185 : i32 to index
      %get3A_190 = tpu.vector_load %get3A_188[%get3A_189] {strides = array<i32>} : memref<32000xf32, #tpu.memory_space<vmem>>, vector<16xf32>,
      %get3A_191 = vector.shape_cast %get3A_190 : vector<16xf32> to vector<16xf32>
      %add3A_192 = arith.addf %scan3A_126#6, %get3A_191 : vector<16xf32>
      %add3A_193 = arith.constant 112 : i32
      %add3A_194 = arith.addi %mul3A_130, %add3A_193 : i32
      %get3A_195 = arith.constant 0 : i32
      %get3A_196 = tpu.memref_slice %arg4[%scan3A_121, %get3A_195] : memref<2x32000xf32, #tpu.memory_space<vmem>> -> memref<1x32000xf32, #tpu.memory_space<vmem>>
      %get3A_197 = tpu.memref_squeeze %get3A_196 : memref<1x32000xf32, #tpu.memory_space<vmem>> -> memref<32000xf32, #tpu.memory_space<vmem>>
      %get3A_198 = arith.index_cast %add3A_194 : i32 to index
      %get3A_199 = tpu.vector_load %get3A_197[%get3A_198] {strides = array<i32>} : memref<32000xf32, #tpu.memory_space<vmem>>, vector<16xf32>,
      %get3A_200 = vector.shape_cast %get3A_199 : vector<16xf32> to vector<16xf32>
      %add3A_201 = arith.addf %scan3A_126#7, %get3A_200 : vector<16xf32>
      %scan3A_202 = arith.constant 249 : i32
      %scan3A_203 = arith.addi %scan3A_122, %scan3A_202 : i32
      %mul3A_204 = arith.constant 128 : i32
      %mul3A_205 = arith.muli %scan3A_203, %mul3A_204 : i32
      %add3A_206 = arith.constant 0 : i32
      %add3A_207 = arith.addi %mul3A_205, %add3A_206 : i32
      %get3A_208 = arith.constant 0 : i32
      %get3A_209 = tpu.memref_slice %arg4[%scan3A_121, %get3A_208] : memref<2x32000xf32, #tpu.memory_space<vmem>> -> memref<1x32000xf32, #tpu.memory_space<vmem>>
      %get3A_210 = tpu.memref_squeeze %get3A_209 : memref<1x32000xf32, #tpu.memory_space<vmem>> -> memref<32000xf32, #tpu.memory_space<vmem>>
      %get3A_211 = arith.index_cast %add3A_207 : i32 to index
      %get3A_212 = tpu.vector_load %get3A_210[%get3A_211] {strides = array<i32>} : memref<32000xf32, #tpu.memory_space<vmem>>, vector<16xf32>,
      %get3A_213 = vector.shape_cast %get3A_212 : vector<16xf32> to vector<16xf32>
      %add3A_214 = arith.addf %add3A_138, %get3A_213 : vector<16xf32>
      %add3A_215 = arith.constant 16 : i32
      %add3A_216 = arith.addi %mul3A_205, %add3A_215 : i32
      %get3A_217 = arith.constant 0 : i32
      %get3A_218 = tpu.memref_slice %arg4[%scan3A_121, %get3A_217] : memref<2x32000xf32, #tpu.memory_space<vmem>> -> memref<1x32000xf32, #tpu.memory_space<vmem>>
      %get3A_219 = tpu.memref_squeeze %get3A_218 : memref<1x32000xf32, #tpu.memory_space<vmem>> -> memref<32000xf32, #tpu.memory_space<vmem>>
      %get3A_220 = arith.index_cast %add3A_216 : i32 to index
      %get3A_221 = tpu.vector_load %get3A_219[%get3A_220] {strides = array<i32>} : memref<32000xf32, #tpu.memory_space<vmem>>, vector<16xf32>,
      %get3A_222 = vector.shape_cast %get3A_221 : vector<16xf32> to vector<16xf32>
      %add3A_223 = arith.addf %add3A_147, %get3A_222 : vector<16xf32>
      %add3A_224 = arith.constant 32 : i32
      %add3A_225 = arith.addi %mul3A_205, %add3A_224 : i32
      %get3A_226 = arith.constant 0 : i32
      %get3A_227 = tpu.memref_slice %arg4[%scan3A_121, %get3A_226] : memref<2x32000xf32, #tpu.memory_space<vmem>> -> memref<1x32000xf32, #tpu.memory_space<vmem>>
      %get3A_228 = tpu.memref_squeeze %get3A_227 : memref<1x32000xf32, #tpu.memory_space<vmem>> -> memref<32000xf32, #tpu.memory_space<vmem>>
      %get3A_229 = arith.index_cast %add3A_225 : i32 to index
      %get3A_230 = tpu.vector_load %get3A_228[%get3A_229] {strides = array<i32>} : memref<32000xf32, #tpu.memory_space<vmem>>, vector<16xf32>,
      %get3A_231 = vector.shape_cast %get3A_230 : vector<16xf32> to vector<16xf32>
      %add3A_232 = arith.addf %add3A_156, %get3A_231 : vector<16xf32>
      %add3A_233 = arith.constant 48 : i32
      %add3A_234 = arith.addi %mul3A_205, %add3A_233 : i32
      %get3A_235 = arith.constant 0 : i32
      %get3A_236 = tpu.memref_slice %arg4[%scan3A_121, %get3A_235] : memref<2x32000xf32, #tpu.memory_space<vmem>> -> memref<1x32000xf32, #tpu.memory_space<vmem>>
      %get3A_237 = tpu.memref_squeeze %get3A_236 : memref<1x32000xf32, #tpu.memory_space<vmem>> -> memref<32000xf32, #tpu.memory_space<vmem>>
      %get3A_238 = arith.index_cast %add3A_234 : i32 to index
      %get3A_239 = tpu.vector_load %get3A_237[%get3A_238] {strides = array<i32>} : memref<32000xf32, #tpu.memory_space<vmem>>, vector<16xf32>,
      %get3A_240 = vector.shape_cast %get3A_239 : vector<16xf32> to vector<16xf32>
      %add3A_241 = arith.addf %add3A_165, %get3A_240 : vector<16xf32>
      %add3A_242 = arith.constant 64 : i32
      %add3A_243 = arith.addi %mul3A_205, %add3A_242 : i32
      %get3A_244 = arith.constant 0 : i32
      %get3A_245 = tpu.memref_slice %arg4[%scan3A_121, %get3A_244] : memref<2x32000xf32, #tpu.memory_space<vmem>> -> memref<1x32000xf32, #tpu.memory_space<vmem>>
      %get3A_246 = tpu.memref_squeeze %get3A_245 : memref<1x32000xf32, #tpu.memory_space<vmem>> -> memref<32000xf32, #tpu.memory_space<vmem>>
      %get3A_247 = arith.index_cast %add3A_243 : i32 to index
      %get3A_248 = tpu.vector_load %get3A_246[%get3A_247] {strides = array<i32>} : memref<32000xf32, #tpu.memory_space<vmem>>, vector<16xf32>,
      %get3A_249 = vector.shape_cast %get3A_248 : vector<16xf32> to vector<16xf32>
      %add3A_250 = arith.addf %add3A_174, %get3A_249 : vector<16xf32>
      %add3A_251 = arith.constant 80 : i32
      %add3A_252 = arith.addi %mul3A_205, %add3A_251 : i32
      %get3A_253 = arith.constant 0 : i32
      %get3A_254 = tpu.memref_slice %arg4[%scan3A_121, %get3A_253] : memref<2x32000xf32, #tpu.memory_space<vmem>> -> memref<1x32000xf32, #tpu.memory_space<vmem>>
      %get3A_255 = tpu.memref_squeeze %get3A_254 : memref<1x32000xf32, #tpu.memory_space<vmem>> -> memref<32000xf32, #tpu.memory_space<vmem>>
      %get3A_256 = arith.index_cast %add3A_252 : i32 to index
      %get3A_257 = tpu.vector_load %get3A_255[%get3A_256] {strides = array<i32>} : memref<32000xf32, #tpu.memory_space<vmem>>, vector<16xf32>,
      %get3A_258 = vector.shape_cast %get3A_257 : vector<16xf32> to vector<16xf32>
      %add3A_259 = arith.addf %add3A_183, %get3A_258 : vector<16xf32>
      %add3A_260 = arith.constant 96 : i32
      %add3A_261 = arith.addi %mul3A_205, %add3A_260 : i32
      %get3A_262 = arith.constant 0 : i32
      %get3A_263 = tpu.memref_slice %arg4[%scan3A_121, %get3A_262] : memref<2x32000xf32, #tpu.memory_space<vmem>> -> memref<1x32000xf32, #tpu.memory_space<vmem>>
      %get3A_264 = tpu.memref_squeeze %get3A_263 : memref<1x32000xf32, #tpu.memory_space<vmem>> -> memref<32000xf32, #tpu.memory_space<vmem>>
      %get3A_265 = arith.index_cast %add3A_261 : i32 to index
      %get3A_266 = tpu.vector_load %get3A_264[%get3A_265] {strides = array<i32>} : memref<32000xf32, #tpu.memory_space<vmem>>, vector<16xf32>,
      %get3A_267 = vector.shape_cast %get3A_266 : vector<16xf32> to vector<16xf32>
      %add3A_268 = arith.addf %add3A_192, %get3A_267 : vector<16xf32>
      %add3A_269 = arith.constant 112 : i32
      %add3A_270 = arith.addi %mul3A_205, %add3A_269 : i32
      %get3A_271 = arith.constant 0 : i32
      %get3A_272 = tpu.memref_slice %arg4[%scan3A_121, %get3A_271] : memref<2x32000xf32, #tpu.memory_space<vmem>> -> memref<1x32000xf32, #tpu.memory_space<vmem>>
      %get3A_273 = tpu.memref_squeeze %get3A_272 : memref<1x32000xf32, #tpu.memory_space<vmem>> -> memref<32000xf32, #tpu.memory_space<vmem>>
      %get3A_274 = arith.index_cast %add3A_270 : i32 to index
      %get3A_275 = tpu.vector_load %get3A_273[%get3A_274] {strides = array<i32>} : memref<32000xf32, #tpu.memory_space<vmem>>, vector<16xf32>,
      %get3A_276 = vector.shape_cast %get3A_275 : vector<16xf32> to vector<16xf32>
      %add3A_277 = arith.addf %add3A_201, %get3A_276 : vector<16xf32>
      %scan3A_278 = arith.constant 250 : i32
      %add3A_279 = arith.constant 2 : i32
      %add3A_280 = arith.addi %add3A_109, %add3A_279 : i32
      %lt3A_281 = arith.constant 10 : i32
      %lt3A_282 = arith.cmpi slt, %add3A_280, %lt3A_281 : i32
      %convert_element_type3A_283 = arith.extui %lt3A_282 : i1 to i32
      %cond3A_284 = arith.constant 0 : i32
      %cond3A_285 = arith.cmpi ne, %convert_element_type3A_283, %cond3A_284 : i32
      scf.if %cond3A_285 {
        %add3A_468 = arith.constant 2 : i32
        %add3A_469 = arith.addi %add3A_109, %add3A_468 : i32
        %mul3A_470 = arith.constant 32000 : i32
        %mul3A_471 = arith.muli %add3A_469, %mul3A_470 : i32
        %add3A_472 = arith.addi %add3A_35, %mul3A_471 : i32
        %dma_start3A_473 = arith.constant 0 : i32
        %dma_start3A_474 = arith.constant 0 : i32
        %dma_start3A_475 = tpu.memref_slice %arg4[%dma_start3A_473, %dma_start3A_474] : memref<2x32000xf32, #tpu.memory_space<vmem>> -> memref<1x32000xf32, #tpu.memory_space<vmem>>
        %dma_start3A_476 = tpu.memref_squeeze %dma_start3A_475 : memref<1x32000xf32, #tpu.memory_space<vmem>> -> memref<32000xf32, #tpu.memory_space<vmem>>
        %dma_start3A_477 = tpu.memref_slice %arg2[%add3A_472] : memref<51200000xf32, #tpu.memory_space<hbm>> -> memref<32000xf32, #tpu.memory_space<hbm>>
        %dma_start3A_478 = arith.constant 0 : i32
        %dma_start3A_479 = tpu.memref_slice %arg4[%dma_start3A_473, %dma_start3A_478] : memref<2x32000xf32, #tpu.memory_space<vmem>> -> memref<1x32000xf32, #tpu.memory_space<vmem>>
        %dma_start3A_480 = tpu.memref_squeeze %dma_start3A_479 : memref<1x32000xf32, #tpu.memory_space<vmem>> -> memref<32000xf32, #tpu.memory_space<vmem>>
        %dma_start3A_481 = tpu.memref_slice %arg2[%add3A_472] : memref<51200000xf32, #tpu.memory_space<hbm>> -> memref<32000xf32, #tpu.memory_space<hbm>>
        tpu.enqueue_dma source(%dma_start3A_481 : memref<32000xf32, #tpu.memory_space<hbm>>) target(%dma_start3A_480 : memref<32000xf32, #tpu.memory_space<vmem>>) target_semaphore(%arg8 : memref<!tpu.dma_semaphore, #tpu.memory_space<semaphore_mem>>)
      } else {
      }
      %mul3A_286 = arith.constant 2 : i32
      %mul3A_287 = arith.muli %scan3A_97, %mul3A_286 : i32
      %add3A_288 = arith.constant 1 : i32
      %add3A_289 = arith.addi %mul3A_287, %add3A_288 : i32
      %mul3A_290 = arith.constant 32000 : i32
      %mul3A_291 = arith.muli %add3A_289, %mul3A_290 : i32
      %add3A_292 = arith.addi %add3A_35, %mul3A_291 : i32
      %dma_wait3A_293 = arith.constant 1 : i32
      %dma_wait3A_294 = arith.constant 0 : i32
      %dma_wait3A_295 = tpu.memref_slice %arg4[%dma_wait3A_293, %dma_wait3A_294] : memref<2x32000xf32, #tpu.memory_space<vmem>> -> memref<1x32000xf32, #tpu.memory_space<vmem>>
      %dma_wait3A_296 = tpu.memref_squeeze %dma_wait3A_295 : memref<1x32000xf32, #tpu.memory_space<vmem>> -> memref<32000xf32, #tpu.memory_space<vmem>>
      %dma_wait3A_297 = tpu.memref_slice %arg2[%add3A_292] : memref<51200000xf32, #tpu.memory_space<hbm>> -> memref<32000xf32, #tpu.memory_space<hbm>>
      %dma_wait3A_298 = arith.constant 0 : i32
      %dma_wait3A_299 = tpu.memref_slice %arg4[%dma_wait3A_293, %dma_wait3A_298] : memref<2x32000xf32, #tpu.memory_space<vmem>> -> memref<1x32000xf32, #tpu.memory_space<vmem>>
      %dma_wait3A_300 = tpu.memref_squeeze %dma_wait3A_299 : memref<1x32000xf32, #tpu.memory_space<vmem>> -> memref<32000xf32, #tpu.memory_space<vmem>>
      %dma_wait3A_301 = tpu.memref_slice %arg2[%add3A_292] : memref<51200000xf32, #tpu.memory_space<hbm>> -> memref<32000xf32, #tpu.memory_space<hbm>>
      tpu.wait_dma2 semaphore(%arg9 : memref<!tpu.dma_semaphore, #tpu.memory_space<semaphore_mem>>) src(%dma_wait3A_301 : memref<32000xf32, #tpu.memory_space<hbm>>) dst(%dma_wait3A_300 : memref<32000xf32, #tpu.memory_space<vmem>>)
      %scan3A_302 = arith.constant 1 : i32
      %scan3A_303 = arith.constant 0 : i32
      %scan3A_304 = arith.constant 248 : i32
      %scan3A_305 = arith.addi %scan3A_303, %scan3A_304 : i32
      %scan3A_306 = arith.constant 4 : i32
      %scan3A_307:8 = scf.for %scan3A_468 = %scan3A_303 to %scan3A_305 step %scan3A_306 iter_args(%scan3A_469 = %add3A_214, %scan3A_470 = %add3A_223, %scan3A_471 = %add3A_232, %scan3A_472 = %add3A_241, %scan3A_473 = %add3A_250, %scan3A_474 = %add3A_259, %scan3A_475 = %add3A_268, %scan3A_476 = %add3A_277) -> (vector<16xf32>, vector<16xf32>, vector<16xf32>, vector<16xf32>, vector<16xf32>, vector<16xf32>, vector<16xf32>, vector<16xf32>)  : i32 {
        %mul3A_477 = arith.constant 128 : i32
        %mul3A_478 = arith.muli %scan3A_468, %mul3A_477 : i32
        %add3A_479 = arith.constant 0 : i32
        %add3A_480 = arith.addi %mul3A_478, %add3A_479 : i32
        %get3A_481 = arith.constant 0 : i32
        %get3A_482 = tpu.memref_slice %arg4[%scan3A_302, %get3A_481] : memref<2x32000xf32, #tpu.memory_space<vmem>> -> memref<1x32000xf32, #tpu.memory_space<vmem>>
        %get3A_483 = tpu.memref_squeeze %get3A_482 : memref<1x32000xf32, #tpu.memory_space<vmem>> -> memref<32000xf32, #tpu.memory_space<vmem>>
        %get3A_484 = arith.index_cast %add3A_480 : i32 to index
        %get3A_485 = tpu.vector_load %get3A_483[%get3A_484] {strides = array<i32>} : memref<32000xf32, #tpu.memory_space<vmem>>, vector<16xf32>,
        %get3A_486 = vector.shape_cast %get3A_485 : vector<16xf32> to vector<16xf32>
        %add3A_487 = arith.addf %scan3A_469, %get3A_486 : vector<16xf32>
        %add3A_488 = arith.constant 16 : i32
        %add3A_489 = arith.addi %mul3A_478, %add3A_488 : i32
        %get3A_490 = arith.constant 0 : i32
        %get3A_491 = tpu.memref_slice %arg4[%scan3A_302, %get3A_490] : memref<2x32000xf32, #tpu.memory_space<vmem>> -> memref<1x32000xf32, #tpu.memory_space<vmem>>
        %get3A_492 = tpu.memref_squeeze %get3A_491 : memref<1x32000xf32, #tpu.memory_space<vmem>> -> memref<32000xf32, #tpu.memory_space<vmem>>
        %get3A_493 = arith.index_cast %add3A_489 : i32 to index
        %get3A_494 = tpu.vector_load %get3A_492[%get3A_493] {strides = array<i32>} : memref<32000xf32, #tpu.memory_space<vmem>>, vector<16xf32>,
        %get3A_495 = vector.shape_cast %get3A_494 : vector<16xf32> to vector<16xf32>
        %add3A_496 = arith.addf %scan3A_470, %get3A_495 : vector<16xf32>
        %add3A_497 = arith.constant 32 : i32
        %add3A_498 = arith.addi %mul3A_478, %add3A_497 : i32
        %get3A_499 = arith.constant 0 : i32
        %get3A_500 = tpu.memref_slice %arg4[%scan3A_302, %get3A_499] : memref<2x32000xf32, #tpu.memory_space<vmem>> -> memref<1x32000xf32, #tpu.memory_space<vmem>>
        %get3A_501 = tpu.memref_squeeze %get3A_500 : memref<1x32000xf32, #tpu.memory_space<vmem>> -> memref<32000xf32, #tpu.memory_space<vmem>>
        %get3A_502 = arith.index_cast %add3A_498 : i32 to index
        %get3A_503 = tpu.vector_load %get3A_501[%get3A_502] {strides = array<i32>} : memref<32000xf32, #tpu.memory_space<vmem>>, vector<16xf32>,
        %get3A_504 = vector.shape_cast %get3A_503 : vector<16xf32> to vector<16xf32>
        %add3A_505 = arith.addf %scan3A_471, %get3A_504 : vector<16xf32>
        %add3A_506 = arith.constant 48 : i32
        %add3A_507 = arith.addi %mul3A_478, %add3A_506 : i32
        %get3A_508 = arith.constant 0 : i32
        %get3A_509 = tpu.memref_slice %arg4[%scan3A_302, %get3A_508] : memref<2x32000xf32, #tpu.memory_space<vmem>> -> memref<1x32000xf32, #tpu.memory_space<vmem>>
        %get3A_510 = tpu.memref_squeeze %get3A_509 : memref<1x32000xf32, #tpu.memory_space<vmem>> -> memref<32000xf32, #tpu.memory_space<vmem>>
        %get3A_511 = arith.index_cast %add3A_507 : i32 to index
        %get3A_512 = tpu.vector_load %get3A_510[%get3A_511] {strides = array<i32>} : memref<32000xf32, #tpu.memory_space<vmem>>, vector<16xf32>,
        %get3A_513 = vector.shape_cast %get3A_512 : vector<16xf32> to vector<16xf32>
        %add3A_514 = arith.addf %scan3A_472, %get3A_513 : vector<16xf32>
        %add3A_515 = arith.constant 64 : i32
        %add3A_516 = arith.addi %mul3A_478, %add3A_515 : i32
        %get3A_517 = arith.constant 0 : i32
        %get3A_518 = tpu.memref_slice %arg4[%scan3A_302, %get3A_517] : memref<2x32000xf32, #tpu.memory_space<vmem>> -> memref<1x32000xf32, #tpu.memory_space<vmem>>
        %get3A_519 = tpu.memref_squeeze %get3A_518 : memref<1x32000xf32, #tpu.memory_space<vmem>> -> memref<32000xf32, #tpu.memory_space<vmem>>
        %get3A_520 = arith.index_cast %add3A_516 : i32 to index
        %get3A_521 = tpu.vector_load %get3A_519[%get3A_520] {strides = array<i32>} : memref<32000xf32, #tpu.memory_space<vmem>>, vector<16xf32>,
        %get3A_522 = vector.shape_cast %get3A_521 : vector<16xf32> to vector<16xf32>
        %add3A_523 = arith.addf %scan3A_473, %get3A_522 : vector<16xf32>
        %add3A_524 = arith.constant 80 : i32
        %add3A_525 = arith.addi %mul3A_478, %add3A_524 : i32
        %get3A_526 = arith.constant 0 : i32
        %get3A_527 = tpu.memref_slice %arg4[%scan3A_302, %get3A_526] : memref<2x32000xf32, #tpu.memory_space<vmem>> -> memref<1x32000xf32, #tpu.memory_space<vmem>>
        %get3A_528 = tpu.memref_squeeze %get3A_527 : memref<1x32000xf32, #tpu.memory_space<vmem>> -> memref<32000xf32, #tpu.memory_space<vmem>>
        %get3A_529 = arith.index_cast %add3A_525 : i32 to index
        %get3A_530 = tpu.vector_load %get3A_528[%get3A_529] {strides = array<i32>} : memref<32000xf32, #tpu.memory_space<vmem>>, vector<16xf32>,
        %get3A_531 = vector.shape_cast %get3A_530 : vector<16xf32> to vector<16xf32>
        %add3A_532 = arith.addf %scan3A_474, %get3A_531 : vector<16xf32>
        %add3A_533 = arith.constant 96 : i32
        %add3A_534 = arith.addi %mul3A_478, %add3A_533 : i32
        %get3A_535 = arith.constant 0 : i32
        %get3A_536 = tpu.memref_slice %arg4[%scan3A_302, %get3A_535] : memref<2x32000xf32, #tpu.memory_space<vmem>> -> memref<1x32000xf32, #tpu.memory_space<vmem>>
        %get3A_537 = tpu.memref_squeeze %get3A_536 : memref<1x32000xf32, #tpu.memory_space<vmem>> -> memref<32000xf32, #tpu.memory_space<vmem>>
        %get3A_538 = arith.index_cast %add3A_534 : i32 to index
        %get3A_539 = tpu.vector_load %get3A_537[%get3A_538] {strides = array<i32>} : memref<32000xf32, #tpu.memory_space<vmem>>, vector<16xf32>,
        %get3A_540 = vector.shape_cast %get3A_539 : vector<16xf32> to vector<16xf32>
        %add3A_541 = arith.addf %scan3A_475, %get3A_540 : vector<16xf32>
        %add3A_542 = arith.constant 112 : i32
        %add3A_543 = arith.addi %mul3A_478, %add3A_542 : i32
        %get3A_544 = arith.constant 0 : i32
        %get3A_545 = tpu.memref_slice %arg4[%scan3A_302, %get3A_544] : memref<2x32000xf32, #tpu.memory_space<vmem>> -> memref<1x32000xf32, #tpu.memory_space<vmem>>
        %get3A_546 = tpu.memref_squeeze %get3A_545 : memref<1x32000xf32, #tpu.memory_space<vmem>> -> memref<32000xf32, #tpu.memory_space<vmem>>
        %get3A_547 = arith.index_cast %add3A_543 : i32 to index
        %get3A_548 = tpu.vector_load %get3A_546[%get3A_547] {strides = array<i32>} : memref<32000xf32, #tpu.memory_space<vmem>>, vector<16xf32>,
        %get3A_549 = vector.shape_cast %get3A_548 : vector<16xf32> to vector<16xf32>
        %add3A_550 = arith.addf %scan3A_476, %get3A_549 : vector<16xf32>
        %scan3A_551 = arith.constant 1 : i32
        %scan3A_552 = arith.addi %scan3A_468, %scan3A_551 : i32
        %mul3A_553 = arith.constant 128 : i32
        %mul3A_554 = arith.muli %scan3A_552, %mul3A_553 : i32
        %add3A_555 = arith.constant 0 : i32
        %add3A_556 = arith.addi %mul3A_554, %add3A_555 : i32
        %get3A_557 = arith.constant 0 : i32
        %get3A_558 = tpu.memref_slice %arg4[%scan3A_302, %get3A_557] : memref<2x32000xf32, #tpu.memory_space<vmem>> -> memref<1x32000xf32, #tpu.memory_space<vmem>>
        %get3A_559 = tpu.memref_squeeze %get3A_558 : memref<1x32000xf32, #tpu.memory_space<vmem>> -> memref<32000xf32, #tpu.memory_space<vmem>>
        %get3A_560 = arith.index_cast %add3A_556 : i32 to index
        %get3A_561 = tpu.vector_load %get3A_559[%get3A_560] {strides = array<i32>} : memref<32000xf32, #tpu.memory_space<vmem>>, vector<16xf32>,
        %get3A_562 = vector.shape_cast %get3A_561 : vector<16xf32> to vector<16xf32>
        %add3A_563 = arith.addf %add3A_487, %get3A_562 : vector<16xf32>
        %add3A_564 = arith.constant 16 : i32
        %add3A_565 = arith.addi %mul3A_554, %add3A_564 : i32
        %get3A_566 = arith.constant 0 : i32
        %get3A_567 = tpu.memref_slice %arg4[%scan3A_302, %get3A_566] : memref<2x32000xf32, #tpu.memory_space<vmem>> -> memref<1x32000xf32, #tpu.memory_space<vmem>>
        %get3A_568 = tpu.memref_squeeze %get3A_567 : memref<1x32000xf32, #tpu.memory_space<vmem>> -> memref<32000xf32, #tpu.memory_space<vmem>>
        %get3A_569 = arith.index_cast %add3A_565 : i32 to index
        %get3A_570 = tpu.vector_load %get3A_568[%get3A_569] {strides = array<i32>} : memref<32000xf32, #tpu.memory_space<vmem>>, vector<16xf32>,
        %get3A_571 = vector.shape_cast %get3A_570 : vector<16xf32> to vector<16xf32>
        %add3A_572 = arith.addf %add3A_496, %get3A_571 : vector<16xf32>
        %add3A_573 = arith.constant 32 : i32
        %add3A_574 = arith.addi %mul3A_554, %add3A_573 : i32
        %get3A_575 = arith.constant 0 : i32
        %get3A_576 = tpu.memref_slice %arg4[%scan3A_302, %get3A_575] : memref<2x32000xf32, #tpu.memory_space<vmem>> -> memref<1x32000xf32, #tpu.memory_space<vmem>>
        %get3A_577 = tpu.memref_squeeze %get3A_576 : memref<1x32000xf32, #tpu.memory_space<vmem>> -> memref<32000xf32, #tpu.memory_space<vmem>>
        %get3A_578 = arith.index_cast %add3A_574 : i32 to index
        %get3A_579 = tpu.vector_load %get3A_577[%get3A_578] {strides = array<i32>} : memref<32000xf32, #tpu.memory_space<vmem>>, vector<16xf32>,
        %get3A_580 = vector.shape_cast %get3A_579 : vector<16xf32> to vector<16xf32>
        %add3A_581 = arith.addf %add3A_505, %get3A_580 : vector<16xf32>
        %add3A_582 = arith.constant 48 : i32
        %add3A_583 = arith.addi %mul3A_554, %add3A_582 : i32
        %get3A_584 = arith.constant 0 : i32
        %get3A_585 = tpu.memref_slice %arg4[%scan3A_302, %get3A_584] : memref<2x32000xf32, #tpu.memory_space<vmem>> -> memref<1x32000xf32, #tpu.memory_space<vmem>>
        %get3A_586 = tpu.memref_squeeze %get3A_585 : memref<1x32000xf32, #tpu.memory_space<vmem>> -> memref<32000xf32, #tpu.memory_space<vmem>>
        %get3A_587 = arith.index_cast %add3A_583 : i32 to index
        %get3A_588 = tpu.vector_load %get3A_586[%get3A_587] {strides = array<i32>} : memref<32000xf32, #tpu.memory_space<vmem>>, vector<16xf32>,
        %get3A_589 = vector.shape_cast %get3A_588 : vector<16xf32> to vector<16xf32>
        %add3A_590 = arith.addf %add3A_514, %get3A_589 : vector<16xf32>
        %add3A_591 = arith.constant 64 : i32
        %add3A_592 = arith.addi %mul3A_554, %add3A_591 : i32
        %get3A_593 = arith.constant 0 : i32
        %get3A_594 = tpu.memref_slice %arg4[%scan3A_302, %get3A_593] : memref<2x32000xf32, #tpu.memory_space<vmem>> -> memref<1x32000xf32, #tpu.memory_space<vmem>>
        %get3A_595 = tpu.memref_squeeze %get3A_594 : memref<1x32000xf32, #tpu.memory_space<vmem>> -> memref<32000xf32, #tpu.memory_space<vmem>>
        %get3A_596 = arith.index_cast %add3A_592 : i32 to index
        %get3A_597 = tpu.vector_load %get3A_595[%get3A_596] {strides = array<i32>} : memref<32000xf32, #tpu.memory_space<vmem>>, vector<16xf32>,
        %get3A_598 = vector.shape_cast %get3A_597 : vector<16xf32> to vector<16xf32>
        %add3A_599 = arith.addf %add3A_523, %get3A_598 : vector<16xf32>
        %add3A_600 = arith.constant 80 : i32
        %add3A_601 = arith.addi %mul3A_554, %add3A_600 : i32
        %get3A_602 = arith.constant 0 : i32
        %get3A_603 = tpu.memref_slice %arg4[%scan3A_302, %get3A_602] : memref<2x32000xf32, #tpu.memory_space<vmem>> -> memref<1x32000xf32, #tpu.memory_space<vmem>>
        %get3A_604 = tpu.memref_squeeze %get3A_603 : memref<1x32000xf32, #tpu.memory_space<vmem>> -> memref<32000xf32, #tpu.memory_space<vmem>>
        %get3A_605 = arith.index_cast %add3A_601 : i32 to index
        %get3A_606 = tpu.vector_load %get3A_604[%get3A_605] {strides = array<i32>} : memref<32000xf32, #tpu.memory_space<vmem>>, vector<16xf32>,
        %get3A_607 = vector.shape_cast %get3A_606 : vector<16xf32> to vector<16xf32>
        %add3A_608 = arith.addf %add3A_532, %get3A_607 : vector<16xf32>
        %add3A_609 = arith.constant 96 : i32
        %add3A_610 = arith.addi %mul3A_554, %add3A_609 : i32
        %get3A_611 = arith.constant 0 : i32
        %get3A_612 = tpu.memref_slice %arg4[%scan3A_302, %get3A_611] : memref<2x32000xf32, #tpu.memory_space<vmem>> -> memref<1x32000xf32, #tpu.memory_space<vmem>>
        %get3A_613 = tpu.memref_squeeze %get3A_612 : memref<1x32000xf32, #tpu.memory_space<vmem>> -> memref<32000xf32, #tpu.memory_space<vmem>>
        %get3A_614 = arith.index_cast %add3A_610 : i32 to index
        %get3A_615 = tpu.vector_load %get3A_613[%get3A_614] {strides = array<i32>} : memref<32000xf32, #tpu.memory_space<vmem>>, vector<16xf32>,
        %get3A_616 = vector.shape_cast %get3A_615 : vector<16xf32> to vector<16xf32>
        %add3A_617 = arith.addf %add3A_541, %get3A_616 : vector<16xf32>
        %add3A_618 = arith.constant 112 : i32
        %add3A_619 = arith.addi %mul3A_554, %add3A_618 : i32
        %get3A_620 = arith.constant 0 : i32
        %get3A_621 = tpu.memref_slice %arg4[%scan3A_302, %get3A_620] : memref<2x32000xf32, #tpu.memory_space<vmem>> -> memref<1x32000xf32, #tpu.memory_space<vmem>>
        %get3A_622 = tpu.memref_squeeze %get3A_621 : memref<1x32000xf32, #tpu.memory_space<vmem>> -> memref<32000xf32, #tpu.memory_space<vmem>>
        %get3A_623 = arith.index_cast %add3A_619 : i32 to index
        %get3A_624 = tpu.vector_load %get3A_622[%get3A_623] {strides = array<i32>} : memref<32000xf32, #tpu.memory_space<vmem>>, vector<16xf32>,
        %get3A_625 = vector.shape_cast %get3A_624 : vector<16xf32> to vector<16xf32>
        %add3A_626 = arith.addf %add3A_550, %get3A_625 : vector<16xf32>
        %scan3A_627 = arith.constant 2 : i32
        %scan3A_628 = arith.addi %scan3A_468, %scan3A_627 : i32
        %mul3A_629 = arith.constant 128 : i32
        %mul3A_630 = arith.muli %scan3A_628, %mul3A_629 : i32
        %add3A_631 = arith.constant 0 : i32
        %add3A_632 = arith.addi %mul3A_630, %add3A_631 : i32
        %get3A_633 = arith.constant 0 : i32
        %get3A_634 = tpu.memref_slice %arg4[%scan3A_302, %get3A_633] : memref<2x32000xf32, #tpu.memory_space<vmem>> -> memref<1x32000xf32, #tpu.memory_space<vmem>>
        %get3A_635 = tpu.memref_squeeze %get3A_634 : memref<1x32000xf32, #tpu.memory_space<vmem>> -> memref<32000xf32, #tpu.memory_space<vmem>>
        %get3A_636 = arith.index_cast %add3A_632 : i32 to index
        %get3A_637 = tpu.vector_load %get3A_635[%get3A_636] {strides = array<i32>} : memref<32000xf32, #tpu.memory_space<vmem>>, vector<16xf32>,
        %get3A_638 = vector.shape_cast %get3A_637 : vector<16xf32> to vector<16xf32>
        %add3A_639 = arith.addf %add3A_563, %get3A_638 : vector<16xf32>
        %add3A_640 = arith.constant 16 : i32
        %add3A_641 = arith.addi %mul3A_630, %add3A_640 : i32
        %get3A_642 = arith.constant 0 : i32
        %get3A_643 = tpu.memref_slice %arg4[%scan3A_302, %get3A_642] : memref<2x32000xf32, #tpu.memory_space<vmem>> -> memref<1x32000xf32, #tpu.memory_space<vmem>>
        %get3A_644 = tpu.memref_squeeze %get3A_643 : memref<1x32000xf32, #tpu.memory_space<vmem>> -> memref<32000xf32, #tpu.memory_space<vmem>>
        %get3A_645 = arith.index_cast %add3A_641 : i32 to index
        %get3A_646 = tpu.vector_load %get3A_644[%get3A_645] {strides = array<i32>} : memref<32000xf32, #tpu.memory_space<vmem>>, vector<16xf32>,
        %get3A_647 = vector.shape_cast %get3A_646 : vector<16xf32> to vector<16xf32>
        %add3A_648 = arith.addf %add3A_572, %get3A_647 : vector<16xf32>
        %add3A_649 = arith.constant 32 : i32
        %add3A_650 = arith.addi %mul3A_630, %add3A_649 : i32
        %get3A_651 = arith.constant 0 : i32
        %get3A_652 = tpu.memref_slice %arg4[%scan3A_302, %get3A_651] : memref<2x32000xf32, #tpu.memory_space<vmem>> -> memref<1x32000xf32, #tpu.memory_space<vmem>>
        %get3A_653 = tpu.memref_squeeze %get3A_652 : memref<1x32000xf32, #tpu.memory_space<vmem>> -> memref<32000xf32, #tpu.memory_space<vmem>>
        %get3A_654 = arith.index_cast %add3A_650 : i32 to index
        %get3A_655 = tpu.vector_load %get3A_653[%get3A_654] {strides = array<i32>} : memref<32000xf32, #tpu.memory_space<vmem>>, vector<16xf32>,
        %get3A_656 = vector.shape_cast %get3A_655 : vector<16xf32> to vector<16xf32>
        %add3A_657 = arith.addf %add3A_581, %get3A_656 : vector<16xf32>
        %add3A_658 = arith.constant 48 : i32
        %add3A_659 = arith.addi %mul3A_630, %add3A_658 : i32
        %get3A_660 = arith.constant 0 : i32
        %get3A_661 = tpu.memref_slice %arg4[%scan3A_302, %get3A_660] : memref<2x32000xf32, #tpu.memory_space<vmem>> -> memref<1x32000xf32, #tpu.memory_space<vmem>>
        %get3A_662 = tpu.memref_squeeze %get3A_661 : memref<1x32000xf32, #tpu.memory_space<vmem>> -> memref<32000xf32, #tpu.memory_space<vmem>>
        %get3A_663 = arith.index_cast %add3A_659 : i32 to index
        %get3A_664 = tpu.vector_load %get3A_662[%get3A_663] {strides = array<i32>} : memref<32000xf32, #tpu.memory_space<vmem>>, vector<16xf32>,
        %get3A_665 = vector.shape_cast %get3A_664 : vector<16xf32> to vector<16xf32>
        %add3A_666 = arith.addf %add3A_590, %get3A_665 : vector<16xf32>
        %add3A_667 = arith.constant 64 : i32
        %add3A_668 = arith.addi %mul3A_630, %add3A_667 : i32
        %get3A_669 = arith.constant 0 : i32
        %get3A_670 = tpu.memref_slice %arg4[%scan3A_302, %get3A_669] : memref<2x32000xf32, #tpu.memory_space<vmem>> -> memref<1x32000xf32, #tpu.memory_space<vmem>>
        %get3A_671 = tpu.memref_squeeze %get3A_670 : memref<1x32000xf32, #tpu.memory_space<vmem>> -> memref<32000xf32, #tpu.memory_space<vmem>>
        %get3A_672 = arith.index_cast %add3A_668 : i32 to index
        %get3A_673 = tpu.vector_load %get3A_671[%get3A_672] {strides = array<i32>} : memref<32000xf32, #tpu.memory_space<vmem>>, vector<16xf32>,
        %get3A_674 = vector.shape_cast %get3A_673 : vector<16xf32> to vector<16xf32>
        %add3A_675 = arith.addf %add3A_599, %get3A_674 : vector<16xf32>
        %add3A_676 = arith.constant 80 : i32
        %add3A_677 = arith.addi %mul3A_630, %add3A_676 : i32
        %get3A_678 = arith.constant 0 : i32
        %get3A_679 = tpu.memref_slice %arg4[%scan3A_302, %get3A_678] : memref<2x32000xf32, #tpu.memory_space<vmem>> -> memref<1x32000xf32, #tpu.memory_space<vmem>>
        %get3A_680 = tpu.memref_squeeze %get3A_679 : memref<1x32000xf32, #tpu.memory_space<vmem>> -> memref<32000xf32, #tpu.memory_space<vmem>>
        %get3A_681 = arith.index_cast %add3A_677 : i32 to index
        %get3A_682 = tpu.vector_load %get3A_680[%get3A_681] {strides = array<i32>} : memref<32000xf32, #tpu.memory_space<vmem>>, vector<16xf32>,
        %get3A_683 = vector.shape_cast %get3A_682 : vector<16xf32> to vector<16xf32>
        %add3A_684 = arith.addf %add3A_608, %get3A_683 : vector<16xf32>
        %add3A_685 = arith.constant 96 : i32
        %add3A_686 = arith.addi %mul3A_630, %add3A_685 : i32
        %get3A_687 = arith.constant 0 : i32
        %get3A_688 = tpu.memref_slice %arg4[%scan3A_302, %get3A_687] : memref<2x32000xf32, #tpu.memory_space<vmem>> -> memref<1x32000xf32, #tpu.memory_space<vmem>>
        %get3A_689 = tpu.memref_squeeze %get3A_688 : memref<1x32000xf32, #tpu.memory_space<vmem>> -> memref<32000xf32, #tpu.memory_space<vmem>>
        %get3A_690 = arith.index_cast %add3A_686 : i32 to index
        %get3A_691 = tpu.vector_load %get3A_689[%get3A_690] {strides = array<i32>} : memref<32000xf32, #tpu.memory_space<vmem>>, vector<16xf32>,
        %get3A_692 = vector.shape_cast %get3A_691 : vector<16xf32> to vector<16xf32>
        %add3A_693 = arith.addf %add3A_617, %get3A_692 : vector<16xf32>
        %add3A_694 = arith.constant 112 : i32
        %add3A_695 = arith.addi %mul3A_630, %add3A_694 : i32
        %get3A_696 = arith.constant 0 : i32
        %get3A_697 = tpu.memref_slice %arg4[%scan3A_302, %get3A_696] : memref<2x32000xf32, #tpu.memory_space<vmem>> -> memref<1x32000xf32, #tpu.memory_space<vmem>>
        %get3A_698 = tpu.memref_squeeze %get3A_697 : memref<1x32000xf32, #tpu.memory_space<vmem>> -> memref<32000xf32, #tpu.memory_space<vmem>>
        %get3A_699 = arith.index_cast %add3A_695 : i32 to index
        %get3A_700 = tpu.vector_load %get3A_698[%get3A_699] {strides = array<i32>} : memref<32000xf32, #tpu.memory_space<vmem>>, vector<16xf32>,
        %get3A_701 = vector.shape_cast %get3A_700 : vector<16xf32> to vector<16xf32>
        %add3A_702 = arith.addf %add3A_626, %get3A_701 : vector<16xf32>
        %scan3A_703 = arith.constant 3 : i32
        %scan3A_704 = arith.addi %scan3A_468, %scan3A_703 : i32
        %mul3A_705 = arith.constant 128 : i32
        %mul3A_706 = arith.muli %scan3A_704, %mul3A_705 : i32
        %add3A_707 = arith.constant 0 : i32
        %add3A_708 = arith.addi %mul3A_706, %add3A_707 : i32
        %get3A_709 = arith.constant 0 : i32
        %get3A_710 = tpu.memref_slice %arg4[%scan3A_302, %get3A_709] : memref<2x32000xf32, #tpu.memory_space<vmem>> -> memref<1x32000xf32, #tpu.memory_space<vmem>>
        %get3A_711 = tpu.memref_squeeze %get3A_710 : memref<1x32000xf32, #tpu.memory_space<vmem>> -> memref<32000xf32, #tpu.memory_space<vmem>>
        %get3A_712 = arith.index_cast %add3A_708 : i32 to index
        %get3A_713 = tpu.vector_load %get3A_711[%get3A_712] {strides = array<i32>} : memref<32000xf32, #tpu.memory_space<vmem>>, vector<16xf32>,
        %get3A_714 = vector.shape_cast %get3A_713 : vector<16xf32> to vector<16xf32>
        %add3A_715 = arith.addf %add3A_639, %get3A_714 : vector<16xf32>
        %add3A_716 = arith.constant 16 : i32
        %add3A_717 = arith.addi %mul3A_706, %add3A_716 : i32
        %get3A_718 = arith.constant 0 : i32
        %get3A_719 = tpu.memref_slice %arg4[%scan3A_302, %get3A_718] : memref<2x32000xf32, #tpu.memory_space<vmem>> -> memref<1x32000xf32, #tpu.memory_space<vmem>>
        %get3A_720 = tpu.memref_squeeze %get3A_719 : memref<1x32000xf32, #tpu.memory_space<vmem>> -> memref<32000xf32, #tpu.memory_space<vmem>>
        %get3A_721 = arith.index_cast %add3A_717 : i32 to index
        %get3A_722 = tpu.vector_load %get3A_720[%get3A_721] {strides = array<i32>} : memref<32000xf32, #tpu.memory_space<vmem>>, vector<16xf32>,
        %get3A_723 = vector.shape_cast %get3A_722 : vector<16xf32> to vector<16xf32>
        %add3A_724 = arith.addf %add3A_648, %get3A_723 : vector<16xf32>
        %add3A_725 = arith.constant 32 : i32
        %add3A_726 = arith.addi %mul3A_706, %add3A_725 : i32
        %get3A_727 = arith.constant 0 : i32
        %get3A_728 = tpu.memref_slice %arg4[%scan3A_302, %get3A_727] : memref<2x32000xf32, #tpu.memory_space<vmem>> -> memref<1x32000xf32, #tpu.memory_space<vmem>>
        %get3A_729 = tpu.memref_squeeze %get3A_728 : memref<1x32000xf32, #tpu.memory_space<vmem>> -> memref<32000xf32, #tpu.memory_space<vmem>>
        %get3A_730 = arith.index_cast %add3A_726 : i32 to index
        %get3A_731 = tpu.vector_load %get3A_729[%get3A_730] {strides = array<i32>} : memref<32000xf32, #tpu.memory_space<vmem>>, vector<16xf32>,
        %get3A_732 = vector.shape_cast %get3A_731 : vector<16xf32> to vector<16xf32>
        %add3A_733 = arith.addf %add3A_657, %get3A_732 : vector<16xf32>
        %add3A_734 = arith.constant 48 : i32
        %add3A_735 = arith.addi %mul3A_706, %add3A_734 : i32
        %get3A_736 = arith.constant 0 : i32
        %get3A_737 = tpu.memref_slice %arg4[%scan3A_302, %get3A_736] : memref<2x32000xf32, #tpu.memory_space<vmem>> -> memref<1x32000xf32, #tpu.memory_space<vmem>>
        %get3A_738 = tpu.memref_squeeze %get3A_737 : memref<1x32000xf32, #tpu.memory_space<vmem>> -> memref<32000xf32, #tpu.memory_space<vmem>>
        %get3A_739 = arith.index_cast %add3A_735 : i32 to index
        %get3A_740 = tpu.vector_load %get3A_738[%get3A_739] {strides = array<i32>} : memref<32000xf32, #tpu.memory_space<vmem>>, vector<16xf32>,
        %get3A_741 = vector.shape_cast %get3A_740 : vector<16xf32> to vector<16xf32>
        %add3A_742 = arith.addf %add3A_666, %get3A_741 : vector<16xf32>
        %add3A_743 = arith.constant 64 : i32
        %add3A_744 = arith.addi %mul3A_706, %add3A_743 : i32
        %get3A_745 = arith.constant 0 : i32
        %get3A_746 = tpu.memref_slice %arg4[%scan3A_302, %get3A_745] : memref<2x32000xf32, #tpu.memory_space<vmem>> -> memref<1x32000xf32, #tpu.memory_space<vmem>>
        %get3A_747 = tpu.memref_squeeze %get3A_746 : memref<1x32000xf32, #tpu.memory_space<vmem>> -> memref<32000xf32, #tpu.memory_space<vmem>>
        %get3A_748 = arith.index_cast %add3A_744 : i32 to index
        %get3A_749 = tpu.vector_load %get3A_747[%get3A_748] {strides = array<i32>} : memref<32000xf32, #tpu.memory_space<vmem>>, vector<16xf32>,
        %get3A_750 = vector.shape_cast %get3A_749 : vector<16xf32> to vector<16xf32>
        %add3A_751 = arith.addf %add3A_675, %get3A_750 : vector<16xf32>
        %add3A_752 = arith.constant 80 : i32
        %add3A_753 = arith.addi %mul3A_706, %add3A_752 : i32
        %get3A_754 = arith.constant 0 : i32
        %get3A_755 = tpu.memref_slice %arg4[%scan3A_302, %get3A_754] : memref<2x32000xf32, #tpu.memory_space<vmem>> -> memref<1x32000xf32, #tpu.memory_space<vmem>>
        %get3A_756 = tpu.memref_squeeze %get3A_755 : memref<1x32000xf32, #tpu.memory_space<vmem>> -> memref<32000xf32, #tpu.memory_space<vmem>>
        %get3A_757 = arith.index_cast %add3A_753 : i32 to index
        %get3A_758 = tpu.vector_load %get3A_756[%get3A_757] {strides = array<i32>} : memref<32000xf32, #tpu.memory_space<vmem>>, vector<16xf32>,
        %get3A_759 = vector.shape_cast %get3A_758 : vector<16xf32> to vector<16xf32>
        %add3A_760 = arith.addf %add3A_684, %get3A_759 : vector<16xf32>
        %add3A_761 = arith.constant 96 : i32
        %add3A_762 = arith.addi %mul3A_706, %add3A_761 : i32
        %get3A_763 = arith.constant 0 : i32
        %get3A_764 = tpu.memref_slice %arg4[%scan3A_302, %get3A_763] : memref<2x32000xf32, #tpu.memory_space<vmem>> -> memref<1x32000xf32, #tpu.memory_space<vmem>>
        %get3A_765 = tpu.memref_squeeze %get3A_764 : memref<1x32000xf32, #tpu.memory_space<vmem>> -> memref<32000xf32, #tpu.memory_space<vmem>>
        %get3A_766 = arith.index_cast %add3A_762 : i32 to index
        %get3A_767 = tpu.vector_load %get3A_765[%get3A_766] {strides = array<i32>} : memref<32000xf32, #tpu.memory_space<vmem>>, vector<16xf32>,
        %get3A_768 = vector.shape_cast %get3A_767 : vector<16xf32> to vector<16xf32>
        %add3A_769 = arith.addf %add3A_693, %get3A_768 : vector<16xf32>
        %add3A_770 = arith.constant 112 : i32
        %add3A_771 = arith.addi %mul3A_706, %add3A_770 : i32
        %get3A_772 = arith.constant 0 : i32
        %get3A_773 = tpu.memref_slice %arg4[%scan3A_302, %get3A_772] : memref<2x32000xf32, #tpu.memory_space<vmem>> -> memref<1x32000xf32, #tpu.memory_space<vmem>>
        %get3A_774 = tpu.memref_squeeze %get3A_773 : memref<1x32000xf32, #tpu.memory_space<vmem>> -> memref<32000xf32, #tpu.memory_space<vmem>>
        %get3A_775 = arith.index_cast %add3A_771 : i32 to index
        %get3A_776 = tpu.vector_load %get3A_774[%get3A_775] {strides = array<i32>} : memref<32000xf32, #tpu.memory_space<vmem>>, vector<16xf32>,
        %get3A_777 = vector.shape_cast %get3A_776 : vector<16xf32> to vector<16xf32>
        %add3A_778 = arith.addf %add3A_702, %get3A_777 : vector<16xf32>
        scf.yield %add3A_715, %add3A_724, %add3A_733, %add3A_742, %add3A_751, %add3A_760, %add3A_769, %add3A_778 : vector<16xf32>, vector<16xf32>, vector<16xf32>, vector<16xf32>, vector<16xf32>, vector<16xf32>, vector<16xf32>, vector<16xf32>
      }
      %scan3A_308 = arith.constant 248 : i32
      %scan3A_309 = arith.addi %scan3A_303, %scan3A_308 : i32
      %mul3A_310 = arith.constant 128 : i32
      %mul3A_311 = arith.muli %scan3A_309, %mul3A_310 : i32
      %add3A_312 = arith.constant 0 : i32
      %add3A_313 = arith.addi %mul3A_311, %add3A_312 : i32
      %get3A_314 = arith.constant 0 : i32
      %get3A_315 = tpu.memref_slice %arg4[%scan3A_302, %get3A_314] : memref<2x32000xf32, #tpu.memory_space<vmem>> -> memref<1x32000xf32, #tpu.memory_space<vmem>>
      %get3A_316 = tpu.memref_squeeze %get3A_315 : memref<1x32000xf32, #tpu.memory_space<vmem>> -> memref<32000xf32, #tpu.memory_space<vmem>>
      %get3A_317 = arith.index_cast %add3A_313 : i32 to index
      %get3A_318 = tpu.vector_load %get3A_316[%get3A_317] {strides = array<i32>} : memref<32000xf32, #tpu.memory_space<vmem>>, vector<16xf32>,
      %get3A_319 = vector.shape_cast %get3A_318 : vector<16xf32> to vector<16xf32>
      %add3A_320 = arith.addf %scan3A_307#0, %get3A_319 : vector<16xf32>
      %add3A_321 = arith.constant 16 : i32
      %add3A_322 = arith.addi %mul3A_311, %add3A_321 : i32
      %get3A_323 = arith.constant 0 : i32
      %get3A_324 = tpu.memref_slice %arg4[%scan3A_302, %get3A_323] : memref<2x32000xf32, #tpu.memory_space<vmem>> -> memref<1x32000xf32, #tpu.memory_space<vmem>>
      %get3A_325 = tpu.memref_squeeze %get3A_324 : memref<1x32000xf32, #tpu.memory_space<vmem>> -> memref<32000xf32, #tpu.memory_space<vmem>>
      %get3A_326 = arith.index_cast %add3A_322 : i32 to index
      %get3A_327 = tpu.vector_load %get3A_325[%get3A_326] {strides = array<i32>} : memref<32000xf32, #tpu.memory_space<vmem>>, vector<16xf32>,
      %get3A_328 = vector.shape_cast %get3A_327 : vector<16xf32> to vector<16xf32>
      %add3A_329 = arith.addf %scan3A_307#1, %get3A_328 : vector<16xf32>
      %add3A_330 = arith.constant 32 : i32
      %add3A_331 = arith.addi %mul3A_311, %add3A_330 : i32
      %get3A_332 = arith.constant 0 : i32
      %get3A_333 = tpu.memref_slice %arg4[%scan3A_302, %get3A_332] : memref<2x32000xf32, #tpu.memory_space<vmem>> -> memref<1x32000xf32, #tpu.memory_space<vmem>>
      %get3A_334 = tpu.memref_squeeze %get3A_333 : memref<1x32000xf32, #tpu.memory_space<vmem>> -> memref<32000xf32, #tpu.memory_space<vmem>>
      %get3A_335 = arith.index_cast %add3A_331 : i32 to index
      %get3A_336 = tpu.vector_load %get3A_334[%get3A_335] {strides = array<i32>} : memref<32000xf32, #tpu.memory_space<vmem>>, vector<16xf32>,
      %get3A_337 = vector.shape_cast %get3A_336 : vector<16xf32> to vector<16xf32>
      %add3A_338 = arith.addf %scan3A_307#2, %get3A_337 : vector<16xf32>
      %add3A_339 = arith.constant 48 : i32
      %add3A_340 = arith.addi %mul3A_311, %add3A_339 : i32
      %get3A_341 = arith.constant 0 : i32
      %get3A_342 = tpu.memref_slice %arg4[%scan3A_302, %get3A_341] : memref<2x32000xf32, #tpu.memory_space<vmem>> -> memref<1x32000xf32, #tpu.memory_space<vmem>>
      %get3A_343 = tpu.memref_squeeze %get3A_342 : memref<1x32000xf32, #tpu.memory_space<vmem>> -> memref<32000xf32, #tpu.memory_space<vmem>>
      %get3A_344 = arith.index_cast %add3A_340 : i32 to index
      %get3A_345 = tpu.vector_load %get3A_343[%get3A_344] {strides = array<i32>} : memref<32000xf32, #tpu.memory_space<vmem>>, vector<16xf32>,
      %get3A_346 = vector.shape_cast %get3A_345 : vector<16xf32> to vector<16xf32>
      %add3A_347 = arith.addf %scan3A_307#3, %get3A_346 : vector<16xf32>
      %add3A_348 = arith.constant 64 : i32
      %add3A_349 = arith.addi %mul3A_311, %add3A_348 : i32
      %get3A_350 = arith.constant 0 : i32
      %get3A_351 = tpu.memref_slice %arg4[%scan3A_302, %get3A_350] : memref<2x32000xf32, #tpu.memory_space<vmem>> -> memref<1x32000xf32, #tpu.memory_space<vmem>>
      %get3A_352 = tpu.memref_squeeze %get3A_351 : memref<1x32000xf32, #tpu.memory_space<vmem>> -> memref<32000xf32, #tpu.memory_space<vmem>>
      %get3A_353 = arith.index_cast %add3A_349 : i32 to index
      %get3A_354 = tpu.vector_load %get3A_352[%get3A_353] {strides = array<i32>} : memref<32000xf32, #tpu.memory_space<vmem>>, vector<16xf32>,
      %get3A_355 = vector.shape_cast %get3A_354 : vector<16xf32> to vector<16xf32>
      %add3A_356 = arith.addf %scan3A_307#4, %get3A_355 : vector<16xf32>
      %add3A_357 = arith.constant 80 : i32
      %add3A_358 = arith.addi %mul3A_311, %add3A_357 : i32
      %get3A_359 = arith.constant 0 : i32
      %get3A_360 = tpu.memref_slice %arg4[%scan3A_302, %get3A_359] : memref<2x32000xf32, #tpu.memory_space<vmem>> -> memref<1x32000xf32, #tpu.memory_space<vmem>>
      %get3A_361 = tpu.memref_squeeze %get3A_360 : memref<1x32000xf32, #tpu.memory_space<vmem>> -> memref<32000xf32, #tpu.memory_space<vmem>>
      %get3A_362 = arith.index_cast %add3A_358 : i32 to index
      %get3A_363 = tpu.vector_load %get3A_361[%get3A_362] {strides = array<i32>} : memref<32000xf32, #tpu.memory_space<vmem>>, vector<16xf32>,
      %get3A_364 = vector.shape_cast %get3A_363 : vector<16xf32> to vector<16xf32>
      %add3A_365 = arith.addf %scan3A_307#5, %get3A_364 : vector<16xf32>
      %add3A_366 = arith.constant 96 : i32
      %add3A_367 = arith.addi %mul3A_311, %add3A_366 : i32
      %get3A_368 = arith.constant 0 : i32
      %get3A_369 = tpu.memref_slice %arg4[%scan3A_302, %get3A_368] : memref<2x32000xf32, #tpu.memory_space<vmem>> -> memref<1x32000xf32, #tpu.memory_space<vmem>>
      %get3A_370 = tpu.memref_squeeze %get3A_369 : memref<1x32000xf32, #tpu.memory_space<vmem>> -> memref<32000xf32, #tpu.memory_space<vmem>>
      %get3A_371 = arith.index_cast %add3A_367 : i32 to index
      %get3A_372 = tpu.vector_load %get3A_370[%get3A_371] {strides = array<i32>} : memref<32000xf32, #tpu.memory_space<vmem>>, vector<16xf32>,
      %get3A_373 = vector.shape_cast %get3A_372 : vector<16xf32> to vector<16xf32>
      %add3A_374 = arith.addf %scan3A_307#6, %get3A_373 : vector<16xf32>
      %add3A_375 = arith.constant 112 : i32
      %add3A_376 = arith.addi %mul3A_311, %add3A_375 : i32
      %get3A_377 = arith.constant 0 : i32
      %get3A_378 = tpu.memref_slice %arg4[%scan3A_302, %get3A_377] : memref<2x32000xf32, #tpu.memory_space<vmem>> -> memref<1x32000xf32, #tpu.memory_space<vmem>>
      %get3A_379 = tpu.memref_squeeze %get3A_378 : memref<1x32000xf32, #tpu.memory_space<vmem>> -> memref<32000xf32, #tpu.memory_space<vmem>>
      %get3A_380 = arith.index_cast %add3A_376 : i32 to index
      %get3A_381 = tpu.vector_load %get3A_379[%get3A_380] {strides = array<i32>} : memref<32000xf32, #tpu.memory_space<vmem>>, vector<16xf32>,
      %get3A_382 = vector.shape_cast %get3A_381 : vector<16xf32> to vector<16xf32>
      %add3A_383 = arith.addf %scan3A_307#7, %get3A_382 : vector<16xf32>
      %scan3A_384 = arith.constant 249 : i32
      %scan3A_385 = arith.addi %scan3A_303, %scan3A_384 : i32
      %mul3A_386 = arith.constant 128 : i32
      %mul3A_387 = arith.muli %scan3A_385, %mul3A_386 : i32
      %add3A_388 = arith.constant 0 : i32
      %add3A_389 = arith.addi %mul3A_387, %add3A_388 : i32
      %get3A_390 = arith.constant 0 : i32
      %get3A_391 = tpu.memref_slice %arg4[%scan3A_302, %get3A_390] : memref<2x32000xf32, #tpu.memory_space<vmem>> -> memref<1x32000xf32, #tpu.memory_space<vmem>>
      %get3A_392 = tpu.memref_squeeze %get3A_391 : memref<1x32000xf32, #tpu.memory_space<vmem>> -> memref<32000xf32, #tpu.memory_space<vmem>>
      %get3A_393 = arith.index_cast %add3A_389 : i32 to index
      %get3A_394 = tpu.vector_load %get3A_392[%get3A_393] {strides = array<i32>} : memref<32000xf32, #tpu.memory_space<vmem>>, vector<16xf32>,
      %get3A_395 = vector.shape_cast %get3A_394 : vector<16xf32> to vector<16xf32>
      %add3A_396 = arith.addf %add3A_320, %get3A_395 : vector<16xf32>
      %add3A_397 = arith.constant 16 : i32
      %add3A_398 = arith.addi %mul3A_387, %add3A_397 : i32
      %get3A_399 = arith.constant 0 : i32
      %get3A_400 = tpu.memref_slice %arg4[%scan3A_302, %get3A_399] : memref<2x32000xf32, #tpu.memory_space<vmem>> -> memref<1x32000xf32, #tpu.memory_space<vmem>>
      %get3A_401 = tpu.memref_squeeze %get3A_400 : memref<1x32000xf32, #tpu.memory_space<vmem>> -> memref<32000xf32, #tpu.memory_space<vmem>>
      %get3A_402 = arith.index_cast %add3A_398 : i32 to index
      %get3A_403 = tpu.vector_load %get3A_401[%get3A_402] {strides = array<i32>} : memref<32000xf32, #tpu.memory_space<vmem>>, vector<16xf32>,
      %get3A_404 = vector.shape_cast %get3A_403 : vector<16xf32> to vector<16xf32>
      %add3A_405 = arith.addf %add3A_329, %get3A_404 : vector<16xf32>
      %add3A_406 = arith.constant 32 : i32
      %add3A_407 = arith.addi %mul3A_387, %add3A_406 : i32
      %get3A_408 = arith.constant 0 : i32
      %get3A_409 = tpu.memref_slice %arg4[%scan3A_302, %get3A_408] : memref<2x32000xf32, #tpu.memory_space<vmem>> -> memref<1x32000xf32, #tpu.memory_space<vmem>>
      %get3A_410 = tpu.memref_squeeze %get3A_409 : memref<1x32000xf32, #tpu.memory_space<vmem>> -> memref<32000xf32, #tpu.memory_space<vmem>>
      %get3A_411 = arith.index_cast %add3A_407 : i32 to index
      %get3A_412 = tpu.vector_load %get3A_410[%get3A_411] {strides = array<i32>} : memref<32000xf32, #tpu.memory_space<vmem>>, vector<16xf32>,
      %get3A_413 = vector.shape_cast %get3A_412 : vector<16xf32> to vector<16xf32>
      %add3A_414 = arith.addf %add3A_338, %get3A_413 : vector<16xf32>
      %add3A_415 = arith.constant 48 : i32
      %add3A_416 = arith.addi %mul3A_387, %add3A_415 : i32
      %get3A_417 = arith.constant 0 : i32
      %get3A_418 = tpu.memref_slice %arg4[%scan3A_302, %get3A_417] : memref<2x32000xf32, #tpu.memory_space<vmem>> -> memref<1x32000xf32, #tpu.memory_space<vmem>>
      %get3A_419 = tpu.memref_squeeze %get3A_418 : memref<1x32000xf32, #tpu.memory_space<vmem>> -> memref<32000xf32, #tpu.memory_space<vmem>>
      %get3A_420 = arith.index_cast %add3A_416 : i32 to index
      %get3A_421 = tpu.vector_load %get3A_419[%get3A_420] {strides = array<i32>} : memref<32000xf32, #tpu.memory_space<vmem>>, vector<16xf32>,
      %get3A_422 = vector.shape_cast %get3A_421 : vector<16xf32> to vector<16xf32>
      %add3A_423 = arith.addf %add3A_347, %get3A_422 : vector<16xf32>
      %add3A_424 = arith.constant 64 : i32
      %add3A_425 = arith.addi %mul3A_387, %add3A_424 : i32
      %get3A_426 = arith.constant 0 : i32
      %get3A_427 = tpu.memref_slice %arg4[%scan3A_302, %get3A_426] : memref<2x32000xf32, #tpu.memory_space<vmem>> -> memref<1x32000xf32, #tpu.memory_space<vmem>>
      %get3A_428 = tpu.memref_squeeze %get3A_427 : memref<1x32000xf32, #tpu.memory_space<vmem>> -> memref<32000xf32, #tpu.memory_space<vmem>>
      %get3A_429 = arith.index_cast %add3A_425 : i32 to index
      %get3A_430 = tpu.vector_load %get3A_428[%get3A_429] {strides = array<i32>} : memref<32000xf32, #tpu.memory_space<vmem>>, vector<16xf32>,
      %get3A_431 = vector.shape_cast %get3A_430 : vector<16xf32> to vector<16xf32>
      %add3A_432 = arith.addf %add3A_356, %get3A_431 : vector<16xf32>
      %add3A_433 = arith.constant 80 : i32
      %add3A_434 = arith.addi %mul3A_387, %add3A_433 : i32
      %get3A_435 = arith.constant 0 : i32
      %get3A_436 = tpu.memref_slice %arg4[%scan3A_302, %get3A_435] : memref<2x32000xf32, #tpu.memory_space<vmem>> -> memref<1x32000xf32, #tpu.memory_space<vmem>>
      %get3A_437 = tpu.memref_squeeze %get3A_436 : memref<1x32000xf32, #tpu.memory_space<vmem>> -> memref<32000xf32, #tpu.memory_space<vmem>>
      %get3A_438 = arith.index_cast %add3A_434 : i32 to index
      %get3A_439 = tpu.vector_load %get3A_437[%get3A_438] {strides = array<i32>} : memref<32000xf32, #tpu.memory_space<vmem>>, vector<16xf32>,
      %get3A_440 = vector.shape_cast %get3A_439 : vector<16xf32> to vector<16xf32>
      %add3A_441 = arith.addf %add3A_365, %get3A_440 : vector<16xf32>
      %add3A_442 = arith.constant 96 : i32
      %add3A_443 = arith.addi %mul3A_387, %add3A_442 : i32
      %get3A_444 = arith.constant 0 : i32
      %get3A_445 = tpu.memref_slice %arg4[%scan3A_302, %get3A_444] : memref<2x32000xf32, #tpu.memory_space<vmem>> -> memref<1x32000xf32, #tpu.memory_space<vmem>>
      %get3A_446 = tpu.memref_squeeze %get3A_445 : memref<1x32000xf32, #tpu.memory_space<vmem>> -> memref<32000xf32, #tpu.memory_space<vmem>>
      %get3A_447 = arith.index_cast %add3A_443 : i32 to index
      %get3A_448 = tpu.vector_load %get3A_446[%get3A_447] {strides = array<i32>} : memref<32000xf32, #tpu.memory_space<vmem>>, vector<16xf32>,
      %get3A_449 = vector.shape_cast %get3A_448 : vector<16xf32> to vector<16xf32>
      %add3A_450 = arith.addf %add3A_374, %get3A_449 : vector<16xf32>
      %add3A_451 = arith.constant 112 : i32
      %add3A_452 = arith.addi %mul3A_387, %add3A_451 : i32
      %get3A_453 = arith.constant 0 : i32
      %get3A_454 = tpu.memref_slice %arg4[%scan3A_302, %get3A_453] : memref<2x32000xf32, #tpu.memory_space<vmem>> -> memref<1x32000xf32, #tpu.memory_space<vmem>>
      %get3A_455 = tpu.memref_squeeze %get3A_454 : memref<1x32000xf32, #tpu.memory_space<vmem>> -> memref<32000xf32, #tpu.memory_space<vmem>>
      %get3A_456 = arith.index_cast %add3A_452 : i32 to index
      %get3A_457 = tpu.vector_load %get3A_455[%get3A_456] {strides = array<i32>} : memref<32000xf32, #tpu.memory_space<vmem>>, vector<16xf32>,
      %get3A_458 = vector.shape_cast %get3A_457 : vector<16xf32> to vector<16xf32>
      %add3A_459 = arith.addf %add3A_383, %get3A_458 : vector<16xf32>
      %scan3A_460 = arith.constant 250 : i32
      %add3A_461 = arith.constant 2 : i32
      %add3A_462 = arith.addi %add3A_289, %add3A_461 : i32
      %lt3A_463 = arith.constant 10 : i32
      %lt3A_464 = arith.cmpi slt, %add3A_462, %lt3A_463 : i32
      %convert_element_type3A_465 = arith.extui %lt3A_464 : i1 to i32
      %cond3A_466 = arith.constant 0 : i32
      %cond3A_467 = arith.cmpi ne, %convert_element_type3A_465, %cond3A_466 : i32
      scf.if %cond3A_467 {
        %add3A_468 = arith.constant 2 : i32
        %add3A_469 = arith.addi %add3A_289, %add3A_468 : i32
        %mul3A_470 = arith.constant 32000 : i32
        %mul3A_471 = arith.muli %add3A_469, %mul3A_470 : i32
        %add3A_472 = arith.addi %add3A_35, %mul3A_471 : i32
        %dma_start3A_473 = arith.constant 1 : i32
        %dma_start3A_474 = arith.constant 0 : i32
        %dma_start3A_475 = tpu.memref_slice %arg4[%dma_start3A_473, %dma_start3A_474] : memref<2x32000xf32, #tpu.memory_space<vmem>> -> memref<1x32000xf32, #tpu.memory_space<vmem>>
        %dma_start3A_476 = tpu.memref_squeeze %dma_start3A_475 : memref<1x32000xf32, #tpu.memory_space<vmem>> -> memref<32000xf32, #tpu.memory_space<vmem>>
        %dma_start3A_477 = tpu.memref_slice %arg2[%add3A_472] : memref<51200000xf32, #tpu.memory_space<hbm>> -> memref<32000xf32, #tpu.memory_space<hbm>>
        %dma_start3A_478 = arith.constant 0 : i32
        %dma_start3A_479 = tpu.memref_slice %arg4[%dma_start3A_473, %dma_start3A_478] : memref<2x32000xf32, #tpu.memory_space<vmem>> -> memref<1x32000xf32, #tpu.memory_space<vmem>>
        %dma_start3A_480 = tpu.memref_squeeze %dma_start3A_479 : memref<1x32000xf32, #tpu.memory_space<vmem>> -> memref<32000xf32, #tpu.memory_space<vmem>>
        %dma_start3A_481 = tpu.memref_slice %arg2[%add3A_472] : memref<51200000xf32, #tpu.memory_space<hbm>> -> memref<32000xf32, #tpu.memory_space<hbm>>
        tpu.enqueue_dma source(%dma_start3A_481 : memref<32000xf32, #tpu.memory_space<hbm>>) target(%dma_start3A_480 : memref<32000xf32, #tpu.memory_space<vmem>>) target_semaphore(%arg9 : memref<!tpu.dma_semaphore, #tpu.memory_space<semaphore_mem>>)
      } else {
      }
      scf.yield %add3A_396, %add3A_405, %add3A_414, %add3A_423, %add3A_432, %add3A_441, %add3A_450, %add3A_459 : vector<16xf32>, vector<16xf32>, vector<16xf32>, vector<16xf32>, vector<16xf32>, vector<16xf32>, vector<16xf32>, vector<16xf32>
    }
    %scan3A_62 = arith.constant 5 : i32
    %swap3A = arith.constant 0 : index
    %swap3A_63 = tpu.vector_load %arg5[%swap3A] {strides = array<i32>} : memref<128xf32, #tpu.memory_space<vmem>>, vector<16xf32>,
    %swap3A_64 = vector.shape_cast %swap3A_63 : vector<16xf32> to vector<16xf32>
    %swap3A_65 = vector.shape_cast %scan3A_61#0 : vector<16xf32> to vector<16xf32>
    tpu.vector_store %arg5[%swap3A], %swap3A_65 {strides = array<i32>} : memref<128xf32, #tpu.memory_space<vmem>>, vector<16xf32>,
    %swap3A_66 = arith.constant 16 : index
    %swap3A_67 = tpu.vector_load %arg5[%swap3A_66] {strides = array<i32>} : memref<128xf32, #tpu.memory_space<vmem>>, vector<16xf32>,
    %swap3A_68 = vector.shape_cast %swap3A_67 : vector<16xf32> to vector<16xf32>
    %swap3A_69 = vector.shape_cast %scan3A_61#1 : vector<16xf32> to vector<16xf32>
    tpu.vector_store %arg5[%swap3A_66], %swap3A_69 {strides = array<i32>} : memref<128xf32, #tpu.memory_space<vmem>>, vector<16xf32>,
    %swap3A_70 = arith.constant 32 : index
    %swap3A_71 = tpu.vector_load %arg5[%swap3A_70] {strides = array<i32>} : memref<128xf32, #tpu.memory_space<vmem>>, vector<16xf32>,
    %swap3A_72 = vector.shape_cast %swap3A_71 : vector<16xf32> to vector<16xf32>
    %swap3A_73 = vector.shape_cast %scan3A_61#2 : vector<16xf32> to vector<16xf32>
    tpu.vector_store %arg5[%swap3A_70], %swap3A_73 {strides = array<i32>} : memref<128xf32, #tpu.memory_space<vmem>>, vector<16xf32>,
    %swap3A_74 = arith.constant 48 : index
    %swap3A_75 = tpu.vector_load %arg5[%swap3A_74] {strides = array<i32>} : memref<128xf32, #tpu.memory_space<vmem>>, vector<16xf32>,
    %swap3A_76 = vector.shape_cast %swap3A_75 : vector<16xf32> to vector<16xf32>
    %swap3A_77 = vector.shape_cast %scan3A_61#3 : vector<16xf32> to vector<16xf32>
    tpu.vector_store %arg5[%swap3A_74], %swap3A_77 {strides = array<i32>} : memref<128xf32, #tpu.memory_space<vmem>>, vector<16xf32>,
    %swap3A_78 = arith.constant 64 : index
    %swap3A_79 = tpu.vector_load %arg5[%swap3A_78] {strides = array<i32>} : memref<128xf32, #tpu.memory_space<vmem>>, vector<16xf32>,
    %swap3A_80 = vector.shape_cast %swap3A_79 : vector<16xf32> to vector<16xf32>
    %swap3A_81 = vector.shape_cast %scan3A_61#4 : vector<16xf32> to vector<16xf32>
    tpu.vector_store %arg5[%swap3A_78], %swap3A_81 {strides = array<i32>} : memref<128xf32, #tpu.memory_space<vmem>>, vector<16xf32>,
    %swap3A_82 = arith.constant 80 : index
    %swap3A_83 = tpu.vector_load %arg5[%swap3A_82] {strides = array<i32>} : memref<128xf32, #tpu.memory_space<vmem>>, vector<16xf32>,
    %swap3A_84 = vector.shape_cast %swap3A_83 : vector<16xf32> to vector<16xf32>
    %swap3A_85 = vector.shape_cast %scan3A_61#5 : vector<16xf32> to vector<16xf32>
    tpu.vector_store %arg5[%swap3A_82], %swap3A_85 {strides = array<i32>} : memref<128xf32, #tpu.memory_space<vmem>>, vector<16xf32>,
    %swap3A_86 = arith.constant 96 : index
    %swap3A_87 = tpu.vector_load %arg5[%swap3A_86] {strides = array<i32>} : memref<128xf32, #tpu.memory_space<vmem>>, vector<16xf32>,
    %swap3A_88 = vector.shape_cast %swap3A_87 : vector<16xf32> to vector<16xf32>
    %swap3A_89 = vector.shape_cast %scan3A_61#6 : vector<16xf32> to vector<16xf32>
    tpu.vector_store %arg5[%swap3A_86], %swap3A_89 {strides = array<i32>} : memref<128xf32, #tpu.memory_space<vmem>>, vector<16xf32>,
    %swap3A_90 = arith.constant 112 : index
    %swap3A_91 = tpu.vector_load %arg5[%swap3A_90] {strides = array<i32>} : memref<128xf32, #tpu.memory_space<vmem>>, vector<16xf32>,
    %swap3A_92 = vector.shape_cast %swap3A_91 : vector<16xf32> to vector<16xf32>
    %swap3A_93 = vector.shape_cast %scan3A_61#7 : vector<16xf32> to vector<16xf32>
    tpu.vector_store %arg5[%swap3A_90], %swap3A_93 {strides = array<i32>} : memref<128xf32, #tpu.memory_space<vmem>>, vector<16xf32>,
    "tpu.region"() ({
      %run_scoped3A = tpu.sem_alloc : memref<!tpu.dma_semaphore, #tpu.memory_space<semaphore_mem>>
      %dma_start3A_97 = arith.constant 0 : i32
      %dma_start3A_98 = tpu.memref_slice %arg7[%arg1, %dma_start3A_97] : memref<16x128xf32, #tpu.memory_space<vmem_shared>> -> memref<1x128xf32, #tpu.memory_space<vmem_shared>>
      %dma_start3A_99 = tpu.memref_squeeze %dma_start3A_98 : memref<1x128xf32, #tpu.memory_space<vmem_shared>> -> memref<128xf32, #tpu.memory_space<vmem_shared>>
      %dma_start3A_100 = arith.constant 0 : i32
      %dma_start3A_101 = tpu.memref_slice %arg7[%arg1, %dma_start3A_100] : memref<16x128xf32, #tpu.memory_space<vmem_shared>> -> memref<1x128xf32, #tpu.memory_space<vmem_shared>>
      %dma_start3A_102 = tpu.memref_squeeze %dma_start3A_101 : memref<1x128xf32, #tpu.memory_space<vmem_shared>> -> memref<128xf32, #tpu.memory_space<vmem_shared>>
      tpu.enqueue_dma source(%arg5 : memref<128xf32, #tpu.memory_space<vmem>>) target(%dma_start3A_102 : memref<128xf32, #tpu.memory_space<vmem_shared>>) target_semaphore(%run_scoped3A : memref<!tpu.dma_semaphore, #tpu.memory_space<semaphore_mem>>)
      %dma_wait3A = arith.constant 0 : i32
      %dma_wait3A_103 = tpu.memref_slice %arg7[%arg1, %dma_wait3A] : memref<16x128xf32, #tpu.memory_space<vmem_shared>> -> memref<1x128xf32, #tpu.memory_space<vmem_shared>>
      %dma_wait3A_104 = tpu.memref_squeeze %dma_wait3A_103 : memref<1x128xf32, #tpu.memory_space<vmem_shared>> -> memref<128xf32, #tpu.memory_space<vmem_shared>>
      %dma_wait3A_105 = arith.constant 0 : i32
      %dma_wait3A_106 = tpu.memref_slice %arg7[%arg1, %dma_wait3A_105] : memref<16x128xf32, #tpu.memory_space<vmem_shared>> -> memref<1x128xf32, #tpu.memory_space<vmem_shared>>
      %dma_wait3A_107 = tpu.memref_squeeze %dma_wait3A_106 : memref<1x128xf32, #tpu.memory_space<vmem_shared>> -> memref<128xf32, #tpu.memory_space<vmem_shared>>
      tpu.wait_dma2 semaphore(%run_scoped3A : memref<!tpu.dma_semaphore, #tpu.memory_space<semaphore_mem>>) src(%arg5 : memref<128xf32, #tpu.memory_space<vmem>>) dst(%dma_wait3A_107 : memref<128xf32, #tpu.memory_space<vmem_shared>>)
      tpu.yield
    }) : () -> ()
    %barrier3A = arith.constant 0 : index
    tpu.barrier barrier_id(%barrier3A)
    %eq3A_94 = arith.constant 0 : i32
    %eq3A_95 = arith.cmpi eq, %select_n3A_30, %eq3A_94 : i32
    %convert_element_type3A = arith.extui %eq3A_95 : i1 to i32
    %cond3A = arith.constant 0 : i32
    %cond3A_96 = arith.cmpi ne, %convert_element_type3A, %cond3A : i32
    scf.if %cond3A_96 {
      "tpu.region"() ({
        %run_scoped3A = tpu.sem_alloc : memref<!tpu.dma_semaphore, #tpu.memory_space<semaphore_mem>>
        %dma_start3A_312 = arith.constant 0 : i32
        %dma_start3A_313 = tpu.memref_slice %arg7[%arg1, %dma_start3A_312] : memref<16x128xf32, #tpu.memory_space<vmem_shared>> -> memref<4x128xf32, #tpu.memory_space<vmem_shared>>
        %dma_start3A_314 = arith.constant 0 : i32
        %dma_start3A_315 = tpu.memref_slice %arg7[%arg1, %dma_start3A_314] : memref<16x128xf32, #tpu.memory_space<vmem_shared>> -> memref<4x128xf32, #tpu.memory_space<vmem_shared>>
        tpu.enqueue_dma source(%dma_start3A_315 : memref<4x128xf32, #tpu.memory_space<vmem_shared>>) target(%arg6 : memref<4x128xf32, #tpu.memory_space<vmem>>) target_semaphore(%run_scoped3A : memref<!tpu.dma_semaphore, #tpu.memory_space<semaphore_mem>>)
        %dma_wait3A = arith.constant 0 : i32
        %dma_wait3A_316 = tpu.memref_slice %arg7[%arg1, %dma_wait3A] : memref<16x128xf32, #tpu.memory_space<vmem_shared>> -> memref<4x128xf32, #tpu.memory_space<vmem_shared>>
        %dma_wait3A_317 = arith.constant 0 : i32
        %dma_wait3A_318 = tpu.memref_slice %arg7[%arg1, %dma_wait3A_317] : memref<16x128xf32, #tpu.memory_space<vmem_shared>> -> memref<4x128xf32, #tpu.memory_space<vmem_shared>>
        tpu.wait_dma2 semaphore(%run_scoped3A : memref<!tpu.dma_semaphore, #tpu.memory_space<semaphore_mem>>) src(%dma_wait3A_318 : memref<4x128xf32, #tpu.memory_space<vmem_shared>>) dst(%arg6 : memref<4x128xf32, #tpu.memory_space<vmem>>)
        tpu.yield
      }) : () -> ()
      %get3A = arith.constant 0 : i32
      %get3A_97 = arith.index_cast %get3A : i32 to index
      %get3A_98 = arith.constant 0 : index
      %get3A_99 = tpu.vector_load %arg6[%get3A_97, %get3A_98] {strides = array<i32>} : memref<4x128xf32, #tpu.memory_space<vmem>>, vector<1x16xf32>,
      %get3A_100 = vector.shape_cast %get3A_99 : vector<1x16xf32> to vector<16xf32>
      %get3A_101 = arith.constant 1 : i32
      %get3A_102 = arith.index_cast %get3A_101 : i32 to index
      %get3A_103 = arith.constant 0 : index
      %get3A_104 = tpu.vector_load %arg6[%get3A_102, %get3A_103] {strides = array<i32>} : memref<4x128xf32, #tpu.memory_space<vmem>>, vector<1x16xf32>,
      %get3A_105 = vector.shape_cast %get3A_104 : vector<1x16xf32> to vector<16xf32>
      %add3A_106 = arith.addf %get3A_100, %get3A_105 : vector<16xf32>
      %get3A_107 = arith.constant 2 : i32
      %get3A_108 = arith.index_cast %get3A_107 : i32 to index
      %get3A_109 = arith.constant 0 : index
      %get3A_110 = tpu.vector_load %arg6[%get3A_108, %get3A_109] {strides = array<i32>} : memref<4x128xf32, #tpu.memory_space<vmem>>, vector<1x16xf32>,
      %get3A_111 = vector.shape_cast %get3A_110 : vector<1x16xf32> to vector<16xf32>
      %add3A_112 = arith.addf %add3A_106, %get3A_111 : vector<16xf32>
      %get3A_113 = arith.constant 3 : i32
      %get3A_114 = arith.index_cast %get3A_113 : i32 to index
      %get3A_115 = arith.constant 0 : index
      %get3A_116 = tpu.vector_load %arg6[%get3A_114, %get3A_115] {strides = array<i32>} : memref<4x128xf32, #tpu.memory_space<vmem>>, vector<1x16xf32>,
      %get3A_117 = vector.shape_cast %get3A_116 : vector<1x16xf32> to vector<16xf32>
      %add3A_118 = arith.addf %add3A_112, %get3A_117 : vector<16xf32>
      %swap3A_119 = arith.constant 0 : index
      %swap3A_120 = tpu.vector_load %arg5[%swap3A_119] {strides = array<i32>} : memref<128xf32, #tpu.memory_space<vmem>>, vector<16xf32>,
      %swap3A_121 = vector.shape_cast %swap3A_120 : vector<16xf32> to vector<16xf32>
      %swap3A_122 = vector.shape_cast %add3A_118 : vector<16xf32> to vector<16xf32>
      tpu.vector_store %arg5[%swap3A_119], %swap3A_122 {strides = array<i32>} : memref<128xf32, #tpu.memory_space<vmem>>, vector<16xf32>,
      %get3A_123 = arith.constant 0 : i32
      %get3A_124 = arith.index_cast %get3A_123 : i32 to index
      %get3A_125 = arith.constant 16 : index
      %get3A_126 = tpu.vector_load %arg6[%get3A_124, %get3A_125] {strides = array<i32>} : memref<4x128xf32, #tpu.memory_space<vmem>>, vector<1x16xf32>,
      %get3A_127 = vector.shape_cast %get3A_126 : vector<1x16xf32> to vector<16xf32>
      %get3A_128 = arith.constant 1 : i32
      %get3A_129 = arith.index_cast %get3A_128 : i32 to index
      %get3A_130 = arith.constant 16 : index
      %get3A_131 = tpu.vector_load %arg6[%get3A_129, %get3A_130] {strides = array<i32>} : memref<4x128xf32, #tpu.memory_space<vmem>>, vector<1x16xf32>,
      %get3A_132 = vector.shape_cast %get3A_131 : vector<1x16xf32> to vector<16xf32>
      %add3A_133 = arith.addf %get3A_127, %get3A_132 : vector<16xf32>
      %get3A_134 = arith.constant 2 : i32
      %get3A_135 = arith.index_cast %get3A_134 : i32 to index
      %get3A_136 = arith.constant 16 : index
      %get3A_137 = tpu.vector_load %arg6[%get3A_135, %get3A_136] {strides = array<i32>} : memref<4x128xf32, #tpu.memory_space<vmem>>, vector<1x16xf32>,
      %get3A_138 = vector.shape_cast %get3A_137 : vector<1x16xf32> to vector<16xf32>
      %add3A_139 = arith.addf %add3A_133, %get3A_138 : vector<16xf32>
      %get3A_140 = arith.constant 3 : i32
      %get3A_141 = arith.index_cast %get3A_140 : i32 to index
      %get3A_142 = arith.constant 16 : index
      %get3A_143 = tpu.vector_load %arg6[%get3A_141, %get3A_142] {strides = array<i32>} : memref<4x128xf32, #tpu.memory_space<vmem>>, vector<1x16xf32>,
      %get3A_144 = vector.shape_cast %get3A_143 : vector<1x16xf32> to vector<16xf32>
      %add3A_145 = arith.addf %add3A_139, %get3A_144 : vector<16xf32>
      %swap3A_146 = arith.constant 16 : index
      %swap3A_147 = tpu.vector_load %arg5[%swap3A_146] {strides = array<i32>} : memref<128xf32, #tpu.memory_space<vmem>>, vector<16xf32>,
      %swap3A_148 = vector.shape_cast %swap3A_147 : vector<16xf32> to vector<16xf32>
      %swap3A_149 = vector.shape_cast %add3A_145 : vector<16xf32> to vector<16xf32>
      tpu.vector_store %arg5[%swap3A_146], %swap3A_149 {strides = array<i32>} : memref<128xf32, #tpu.memory_space<vmem>>, vector<16xf32>,
      %get3A_150 = arith.constant 0 : i32
      %get3A_151 = arith.index_cast %get3A_150 : i32 to index
      %get3A_152 = arith.constant 32 : index
      %get3A_153 = tpu.vector_load %arg6[%get3A_151, %get3A_152] {strides = array<i32>} : memref<4x128xf32, #tpu.memory_space<vmem>>, vector<1x16xf32>,
      %get3A_154 = vector.shape_cast %get3A_153 : vector<1x16xf32> to vector<16xf32>
      %get3A_155 = arith.constant 1 : i32
      %get3A_156 = arith.index_cast %get3A_155 : i32 to index
      %get3A_157 = arith.constant 32 : index
      %get3A_158 = tpu.vector_load %arg6[%get3A_156, %get3A_157] {strides = array<i32>} : memref<4x128xf32, #tpu.memory_space<vmem>>, vector<1x16xf32>,
      %get3A_159 = vector.shape_cast %get3A_158 : vector<1x16xf32> to vector<16xf32>
      %add3A_160 = arith.addf %get3A_154, %get3A_159 : vector<16xf32>
      %get3A_161 = arith.constant 2 : i32
      %get3A_162 = arith.index_cast %get3A_161 : i32 to index
      %get3A_163 = arith.constant 32 : index
      %get3A_164 = tpu.vector_load %arg6[%get3A_162, %get3A_163] {strides = array<i32>} : memref<4x128xf32, #tpu.memory_space<vmem>>, vector<1x16xf32>,
      %get3A_165 = vector.shape_cast %get3A_164 : vector<1x16xf32> to vector<16xf32>
      %add3A_166 = arith.addf %add3A_160, %get3A_165 : vector<16xf32>
      %get3A_167 = arith.constant 3 : i32
      %get3A_168 = arith.index_cast %get3A_167 : i32 to index
      %get3A_169 = arith.constant 32 : index
      %get3A_170 = tpu.vector_load %arg6[%get3A_168, %get3A_169] {strides = array<i32>} : memref<4x128xf32, #tpu.memory_space<vmem>>, vector<1x16xf32>,
      %get3A_171 = vector.shape_cast %get3A_170 : vector<1x16xf32> to vector<16xf32>
      %add3A_172 = arith.addf %add3A_166, %get3A_171 : vector<16xf32>
      %swap3A_173 = arith.constant 32 : index
      %swap3A_174 = tpu.vector_load %arg5[%swap3A_173] {strides = array<i32>} : memref<128xf32, #tpu.memory_space<vmem>>, vector<16xf32>,
      %swap3A_175 = vector.shape_cast %swap3A_174 : vector<16xf32> to vector<16xf32>
      %swap3A_176 = vector.shape_cast %add3A_172 : vector<16xf32> to vector<16xf32>
      tpu.vector_store %arg5[%swap3A_173], %swap3A_176 {strides = array<i32>} : memref<128xf32, #tpu.memory_space<vmem>>, vector<16xf32>,
      %get3A_177 = arith.constant 0 : i32
      %get3A_178 = arith.index_cast %get3A_177 : i32 to index
      %get3A_179 = arith.constant 48 : index
      %get3A_180 = tpu.vector_load %arg6[%get3A_178, %get3A_179] {strides = array<i32>} : memref<4x128xf32, #tpu.memory_space<vmem>>, vector<1x16xf32>,
      %get3A_181 = vector.shape_cast %get3A_180 : vector<1x16xf32> to vector<16xf32>
      %get3A_182 = arith.constant 1 : i32
      %get3A_183 = arith.index_cast %get3A_182 : i32 to index
      %get3A_184 = arith.constant 48 : index
      %get3A_185 = tpu.vector_load %arg6[%get3A_183, %get3A_184] {strides = array<i32>} : memref<4x128xf32, #tpu.memory_space<vmem>>, vector<1x16xf32>,
      %get3A_186 = vector.shape_cast %get3A_185 : vector<1x16xf32> to vector<16xf32>
      %add3A_187 = arith.addf %get3A_181, %get3A_186 : vector<16xf32>
      %get3A_188 = arith.constant 2 : i32
      %get3A_189 = arith.index_cast %get3A_188 : i32 to index
      %get3A_190 = arith.constant 48 : index
      %get3A_191 = tpu.vector_load %arg6[%get3A_189, %get3A_190] {strides = array<i32>} : memref<4x128xf32, #tpu.memory_space<vmem>>, vector<1x16xf32>,
      %get3A_192 = vector.shape_cast %get3A_191 : vector<1x16xf32> to vector<16xf32>
      %add3A_193 = arith.addf %add3A_187, %get3A_192 : vector<16xf32>
      %get3A_194 = arith.constant 3 : i32
      %get3A_195 = arith.index_cast %get3A_194 : i32 to index
      %get3A_196 = arith.constant 48 : index
      %get3A_197 = tpu.vector_load %arg6[%get3A_195, %get3A_196] {strides = array<i32>} : memref<4x128xf32, #tpu.memory_space<vmem>>, vector<1x16xf32>,
      %get3A_198 = vector.shape_cast %get3A_197 : vector<1x16xf32> to vector<16xf32>
      %add3A_199 = arith.addf %add3A_193, %get3A_198 : vector<16xf32>
      %swap3A_200 = arith.constant 48 : index
      %swap3A_201 = tpu.vector_load %arg5[%swap3A_200] {strides = array<i32>} : memref<128xf32, #tpu.memory_space<vmem>>, vector<16xf32>,
      %swap3A_202 = vector.shape_cast %swap3A_201 : vector<16xf32> to vector<16xf32>
      %swap3A_203 = vector.shape_cast %add3A_199 : vector<16xf32> to vector<16xf32>
      tpu.vector_store %arg5[%swap3A_200], %swap3A_203 {strides = array<i32>} : memref<128xf32, #tpu.memory_space<vmem>>, vector<16xf32>,
      %get3A_204 = arith.constant 0 : i32
      %get3A_205 = arith.index_cast %get3A_204 : i32 to index
      %get3A_206 = arith.constant 64 : index
      %get3A_207 = tpu.vector_load %arg6[%get3A_205, %get3A_206] {strides = array<i32>} : memref<4x128xf32, #tpu.memory_space<vmem>>, vector<1x16xf32>,
      %get3A_208 = vector.shape_cast %get3A_207 : vector<1x16xf32> to vector<16xf32>
      %get3A_209 = arith.constant 1 : i32
      %get3A_210 = arith.index_cast %get3A_209 : i32 to index
      %get3A_211 = arith.constant 64 : index
      %get3A_212 = tpu.vector_load %arg6[%get3A_210, %get3A_211] {strides = array<i32>} : memref<4x128xf32, #tpu.memory_space<vmem>>, vector<1x16xf32>,
      %get3A_213 = vector.shape_cast %get3A_212 : vector<1x16xf32> to vector<16xf32>
      %add3A_214 = arith.addf %get3A_208, %get3A_213 : vector<16xf32>
      %get3A_215 = arith.constant 2 : i32
      %get3A_216 = arith.index_cast %get3A_215 : i32 to index
      %get3A_217 = arith.constant 64 : index
      %get3A_218 = tpu.vector_load %arg6[%get3A_216, %get3A_217] {strides = array<i32>} : memref<4x128xf32, #tpu.memory_space<vmem>>, vector<1x16xf32>,
      %get3A_219 = vector.shape_cast %get3A_218 : vector<1x16xf32> to vector<16xf32>
      %add3A_220 = arith.addf %add3A_214, %get3A_219 : vector<16xf32>
      %get3A_221 = arith.constant 3 : i32
      %get3A_222 = arith.index_cast %get3A_221 : i32 to index
      %get3A_223 = arith.constant 64 : index
      %get3A_224 = tpu.vector_load %arg6[%get3A_222, %get3A_223] {strides = array<i32>} : memref<4x128xf32, #tpu.memory_space<vmem>>, vector<1x16xf32>,
      %get3A_225 = vector.shape_cast %get3A_224 : vector<1x16xf32> to vector<16xf32>
      %add3A_226 = arith.addf %add3A_220, %get3A_225 : vector<16xf32>
      %swap3A_227 = arith.constant 64 : index
      %swap3A_228 = tpu.vector_load %arg5[%swap3A_227] {strides = array<i32>} : memref<128xf32, #tpu.memory_space<vmem>>, vector<16xf32>,
      %swap3A_229 = vector.shape_cast %swap3A_228 : vector<16xf32> to vector<16xf32>
      %swap3A_230 = vector.shape_cast %add3A_226 : vector<16xf32> to vector<16xf32>
      tpu.vector_store %arg5[%swap3A_227], %swap3A_230 {strides = array<i32>} : memref<128xf32, #tpu.memory_space<vmem>>, vector<16xf32>,
      %get3A_231 = arith.constant 0 : i32
      %get3A_232 = arith.index_cast %get3A_231 : i32 to index
      %get3A_233 = arith.constant 80 : index
      %get3A_234 = tpu.vector_load %arg6[%get3A_232, %get3A_233] {strides = array<i32>} : memref<4x128xf32, #tpu.memory_space<vmem>>, vector<1x16xf32>,
      %get3A_235 = vector.shape_cast %get3A_234 : vector<1x16xf32> to vector<16xf32>
      %get3A_236 = arith.constant 1 : i32
      %get3A_237 = arith.index_cast %get3A_236 : i32 to index
      %get3A_238 = arith.constant 80 : index
      %get3A_239 = tpu.vector_load %arg6[%get3A_237, %get3A_238] {strides = array<i32>} : memref<4x128xf32, #tpu.memory_space<vmem>>, vector<1x16xf32>,
      %get3A_240 = vector.shape_cast %get3A_239 : vector<1x16xf32> to vector<16xf32>
      %add3A_241 = arith.addf %get3A_235, %get3A_240 : vector<16xf32>
      %get3A_242 = arith.constant 2 : i32
      %get3A_243 = arith.index_cast %get3A_242 : i32 to index
      %get3A_244 = arith.constant 80 : index
      %get3A_245 = tpu.vector_load %arg6[%get3A_243, %get3A_244] {strides = array<i32>} : memref<4x128xf32, #tpu.memory_space<vmem>>, vector<1x16xf32>,
      %get3A_246 = vector.shape_cast %get3A_245 : vector<1x16xf32> to vector<16xf32>
      %add3A_247 = arith.addf %add3A_241, %get3A_246 : vector<16xf32>
      %get3A_248 = arith.constant 3 : i32
      %get3A_249 = arith.index_cast %get3A_248 : i32 to index
      %get3A_250 = arith.constant 80 : index
      %get3A_251 = tpu.vector_load %arg6[%get3A_249, %get3A_250] {strides = array<i32>} : memref<4x128xf32, #tpu.memory_space<vmem>>, vector<1x16xf32>,
      %get3A_252 = vector.shape_cast %get3A_251 : vector<1x16xf32> to vector<16xf32>
      %add3A_253 = arith.addf %add3A_247, %get3A_252 : vector<16xf32>
      %swap3A_254 = arith.constant 80 : index
      %swap3A_255 = tpu.vector_load %arg5[%swap3A_254] {strides = array<i32>} : memref<128xf32, #tpu.memory_space<vmem>>, vector<16xf32>,
      %swap3A_256 = vector.shape_cast %swap3A_255 : vector<16xf32> to vector<16xf32>
      %swap3A_257 = vector.shape_cast %add3A_253 : vector<16xf32> to vector<16xf32>
      tpu.vector_store %arg5[%swap3A_254], %swap3A_257 {strides = array<i32>} : memref<128xf32, #tpu.memory_space<vmem>>, vector<16xf32>,
      %get3A_258 = arith.constant 0 : i32
      %get3A_259 = arith.index_cast %get3A_258 : i32 to index
      %get3A_260 = arith.constant 96 : index
      %get3A_261 = tpu.vector_load %arg6[%get3A_259, %get3A_260] {strides = array<i32>} : memref<4x128xf32, #tpu.memory_space<vmem>>, vector<1x16xf32>,
      %get3A_262 = vector.shape_cast %get3A_261 : vector<1x16xf32> to vector<16xf32>
      %get3A_263 = arith.constant 1 : i32
      %get3A_264 = arith.index_cast %get3A_263 : i32 to index
      %get3A_265 = arith.constant 96 : index
      %get3A_266 = tpu.vector_load %arg6[%get3A_264, %get3A_265] {strides = array<i32>} : memref<4x128xf32, #tpu.memory_space<vmem>>, vector<1x16xf32>,
      %get3A_267 = vector.shape_cast %get3A_266 : vector<1x16xf32> to vector<16xf32>
      %add3A_268 = arith.addf %get3A_262, %get3A_267 : vector<16xf32>
      %get3A_269 = arith.constant 2 : i32
      %get3A_270 = arith.index_cast %get3A_269 : i32 to index
      %get3A_271 = arith.constant 96 : index
      %get3A_272 = tpu.vector_load %arg6[%get3A_270, %get3A_271] {strides = array<i32>} : memref<4x128xf32, #tpu.memory_space<vmem>>, vector<1x16xf32>,
      %get3A_273 = vector.shape_cast %get3A_272 : vector<1x16xf32> to vector<16xf32>
      %add3A_274 = arith.addf %add3A_268, %get3A_273 : vector<16xf32>
      %get3A_275 = arith.constant 3 : i32
      %get3A_276 = arith.index_cast %get3A_275 : i32 to index
      %get3A_277 = arith.constant 96 : index
      %get3A_278 = tpu.vector_load %arg6[%get3A_276, %get3A_277] {strides = array<i32>} : memref<4x128xf32, #tpu.memory_space<vmem>>, vector<1x16xf32>,
      %get3A_279 = vector.shape_cast %get3A_278 : vector<1x16xf32> to vector<16xf32>
      %add3A_280 = arith.addf %add3A_274, %get3A_279 : vector<16xf32>
      %swap3A_281 = arith.constant 96 : index
      %swap3A_282 = tpu.vector_load %arg5[%swap3A_281] {strides = array<i32>} : memref<128xf32, #tpu.memory_space<vmem>>, vector<16xf32>,
      %swap3A_283 = vector.shape_cast %swap3A_282 : vector<16xf32> to vector<16xf32>
      %swap3A_284 = vector.shape_cast %add3A_280 : vector<16xf32> to vector<16xf32>
      tpu.vector_store %arg5[%swap3A_281], %swap3A_284 {strides = array<i32>} : memref<128xf32, #tpu.memory_space<vmem>>, vector<16xf32>,
      %get3A_285 = arith.constant 0 : i32
      %get3A_286 = arith.index_cast %get3A_285 : i32 to index
      %get3A_287 = arith.constant 112 : index
      %get3A_288 = tpu.vector_load %arg6[%get3A_286, %get3A_287] {strides = array<i32>} : memref<4x128xf32, #tpu.memory_space<vmem>>, vector<1x16xf32>,
      %get3A_289 = vector.shape_cast %get3A_288 : vector<1x16xf32> to vector<16xf32>
      %get3A_290 = arith.constant 1 : i32
      %get3A_291 = arith.index_cast %get3A_290 : i32 to index
      %get3A_292 = arith.constant 112 : index
      %get3A_293 = tpu.vector_load %arg6[%get3A_291, %get3A_292] {strides = array<i32>} : memref<4x128xf32, #tpu.memory_space<vmem>>, vector<1x16xf32>,
      %get3A_294 = vector.shape_cast %get3A_293 : vector<1x16xf32> to vector<16xf32>
      %add3A_295 = arith.addf %get3A_289, %get3A_294 : vector<16xf32>
      %get3A_296 = arith.constant 2 : i32
      %get3A_297 = arith.index_cast %get3A_296 : i32 to index
      %get3A_298 = arith.constant 112 : index
      %get3A_299 = tpu.vector_load %arg6[%get3A_297, %get3A_298] {strides = array<i32>} : memref<4x128xf32, #tpu.memory_space<vmem>>, vector<1x16xf32>,
      %get3A_300 = vector.shape_cast %get3A_299 : vector<1x16xf32> to vector<16xf32>
      %add3A_301 = arith.addf %add3A_295, %get3A_300 : vector<16xf32>
      %get3A_302 = arith.constant 3 : i32
      %get3A_303 = arith.index_cast %get3A_302 : i32 to index
      %get3A_304 = arith.constant 112 : index
      %get3A_305 = tpu.vector_load %arg6[%get3A_303, %get3A_304] {strides = array<i32>} : memref<4x128xf32, #tpu.memory_space<vmem>>, vector<1x16xf32>,
      %get3A_306 = vector.shape_cast %get3A_305 : vector<1x16xf32> to vector<16xf32>
      %add3A_307 = arith.addf %add3A_301, %get3A_306 : vector<16xf32>
      %swap3A_308 = arith.constant 112 : index
      %swap3A_309 = tpu.vector_load %arg5[%swap3A_308] {strides = array<i32>} : memref<128xf32, #tpu.memory_space<vmem>>, vector<16xf32>,
      %swap3A_310 = vector.shape_cast %swap3A_309 : vector<16xf32> to vector<16xf32>
      %swap3A_311 = vector.shape_cast %add3A_307 : vector<16xf32> to vector<16xf32>
      tpu.vector_store %arg5[%swap3A_308], %swap3A_311 {strides = array<i32>} : memref<128xf32, #tpu.memory_space<vmem>>, vector<16xf32>,
      "tpu.region"() ({
        %run_scoped3A = tpu.sem_alloc : memref<!tpu.dma_semaphore, #tpu.memory_space<semaphore_mem>>
        %dma_start3A_312 = arith.constant 0 : i32
        %dma_start3A_313 = tpu.memref_slice %arg3[%select_n3A, %dma_start3A_312] : memref<8x128xf32, #tpu.memory_space<hbm>> -> memref<1x128xf32, #tpu.memory_space<hbm>>
        %dma_start3A_314 = tpu.memref_squeeze %dma_start3A_313 : memref<1x128xf32, #tpu.memory_space<hbm>> -> memref<128xf32, #tpu.memory_space<hbm>>
        %dma_start3A_315 = arith.constant 0 : i32
        %dma_start3A_316 = tpu.memref_slice %arg3[%select_n3A, %dma_start3A_315] : memref<8x128xf32, #tpu.memory_space<hbm>> -> memref<1x128xf32, #tpu.memory_space<hbm>>
        %dma_start3A_317 = tpu.memref_squeeze %dma_start3A_316 : memref<1x128xf32, #tpu.memory_space<hbm>> -> memref<128xf32, #tpu.memory_space<hbm>>
        tpu.enqueue_dma source(%arg5 : memref<128xf32, #tpu.memory_space<vmem>>) target(%dma_start3A_317 : memref<128xf32, #tpu.memory_space<hbm>>) target_semaphore(%run_scoped3A : memref<!tpu.dma_semaphore, #tpu.memory_space<semaphore_mem>>)
        %dma_wait3A = arith.constant 0 : i32
        %dma_wait3A_318 = tpu.memref_slice %arg3[%select_n3A, %dma_wait3A] : memref<8x128xf32, #tpu.memory_space<hbm>> -> memref<1x128xf32, #tpu.memory_space<hbm>>
        %dma_wait3A_319 = tpu.memref_squeeze %dma_wait3A_318 : memref<1x128xf32, #tpu.memory_space<hbm>> -> memref<128xf32, #tpu.memory_space<hbm>>
        %dma_wait3A_320 = arith.constant 0 : i32
        %dma_wait3A_321 = tpu.memref_slice %arg3[%select_n3A, %dma_wait3A_320] : memref<8x128xf32, #tpu.memory_space<hbm>> -> memref<1x128xf32, #tpu.memory_space<hbm>>
        %dma_wait3A_322 = tpu.memref_squeeze %dma_wait3A_321 : memref<1x128xf32, #tpu.memory_space<hbm>> -> memref<128xf32, #tpu.memory_space<hbm>>
        tpu.wait_dma2 semaphore(%run_scoped3A : memref<!tpu.dma_semaphore, #tpu.memory_space<semaphore_mem>>) src(%arg5 : memref<128xf32, #tpu.memory_space<vmem>>) dst(%dma_wait3A_322 : memref<128xf32, #tpu.memory_space<hbm>>)
        tpu.yield
      }) : () -> ()
    } else {
    }
    return
  }
}

module attributes {stable_mosaic.version = 14 : i64} {
  func.func @_tc_body(%arg0: i32, %arg1: memref<8x2000x128xf32, #tpu.memory_space<vmem>>, %arg2: memref<8x128xf32, #tpu.memory_space<vmem>>) attributes {dimension_semantics = [#tpu.dimension_semantics<arbitrary>], iteration_bounds = array<i64: 20>, scalar_prefetch = 0 : i64, scratch_operands = 0 : i64, tpu.core_type = #tpu.core_type<tc>, window_params = [{transform_indices = @transform_0, window_bounds = array<i64: 8, 2000, 128>}, {pipeline_mode = #tpu.pipeline_mode<synchronous>, transform_indices = @transform_1, window_bounds = array<i64: 8, 128>}]} {
    %eq3A = arith.constant 0 : i32
    %eq3A_0 = arith.cmpi eq, %arg0, %eq3A : i32
    %convert_element_type3A = arith.extui %eq3A_0 : i1 to i32
    %cond3A = arith.constant 0 : i32
    %cond3A_1 = arith.cmpi ne, %convert_element_type3A, %cond3A : i32
    scf.if %cond3A_1 {
      %broadcast_in_dim3A = arith.constant 0.000000e+00 : f32
      %broadcast_in_dim3A_11 = vector.broadcast %broadcast_in_dim3A : f32 to vector<8x128xf32>
      %swap3A_12 = arith.constant 0 : index
      %swap3A_13 = arith.constant 0 : index
      %swap3A_14 = vector.load %arg2[%swap3A_12, %swap3A_13] : memref<8x128xf32, #tpu.memory_space<vmem>>, vector<8x128xf32>
      tpu.vector_store %arg2[%swap3A_12, %swap3A_13], %broadcast_in_dim3A_11 {strides = array<i32>} : memref<8x128xf32, #tpu.memory_space<vmem>>, vector<8x128xf32>,
    } else {
    }
    %get3A = arith.constant 0 : index
    %get3A_2 = arith.constant 0 : index
    %get3A_3 = vector.load %arg2[%get3A, %get3A_2] : memref<8x128xf32, #tpu.memory_space<vmem>>, vector<8x128xf32>
    %get3A_4 = arith.constant 0 : index
    %get3A_5 = arith.constant 0 : index
    %get3A_6 = arith.constant 0 : index
    %get3A_7 = vector.load %arg1[%get3A_4, %get3A_5, %get3A_6] : memref<8x2000x128xf32, #tpu.memory_space<vmem>>, vector<8x2000x128xf32>
    %reduce_sum3A = arith.constant dense<0.000000e+00> : vector<8x128xf32>
    %reduce_sum3A_8 = vector.multi_reduction <add>, %get3A_7, %reduce_sum3A [1] : vector<8x2000x128xf32> to vector<8x128xf32>
    %add3A = arith.addf %get3A_3, %reduce_sum3A_8 : vector<8x128xf32>
    %swap3A = arith.constant 0 : index
    %swap3A_9 = arith.constant 0 : index
    %swap3A_10 = vector.load %arg2[%swap3A, %swap3A_9] : memref<8x128xf32, #tpu.memory_space<vmem>>, vector<8x128xf32>
    tpu.vector_store %arg2[%swap3A, %swap3A_9], %add3A {strides = array<i32>} : memref<8x128xf32, #tpu.memory_space<vmem>>, vector<8x128xf32>,
    return
  }
  func.func @transform_0(%arg0: i32) -> (i32, i32, i32) {
    %add3A = arith.constant 5 : i32
    %add3A_0 = arith.addi %arg0, %add3A : i32
    %c0_i32 = arith.constant 0 : i32
    %c0_i32_1 = arith.constant 0 : i32
    %c0_i32_2 = arith.constant 0 : i32
    return %c0_i32, %add3A_0, %c0_i32_1 : i32, i32, i32
  }
  func.func @transform_1(%arg0: i32) -> (i32, i32) {
    %c0_i32 = arith.constant 0 : i32
    %c0_i32_0 = arith.constant 0 : i32
    %c0_i32_1 = arith.constant 0 : i32
    return %c0_i32, %c0_i32_0 : i32, i32
  }
}

module attributes {stable_mosaic.version = 14 : i64} {
  func.func @_combine_body(%arg0: memref<8x128xf32, #tpu.memory_space<vmem>>, %arg1: memref<8x128xf32, #tpu.memory_space<vmem>>, %arg2: memref<8x128xf32, #tpu.memory_space<vmem>>) attributes {dimension_semantics = [], scalar_prefetch = 0 : i64, scratch_operands = 0 : i64, tpu.core_type = #tpu.core_type<tc>} {
    %get3A = arith.constant 0 : index
    %get3A_0 = arith.constant 0 : index
    %get3A_1 = vector.load %arg0[%get3A, %get3A_0] : memref<8x128xf32, #tpu.memory_space<vmem>>, vector<8x128xf32>
    %get3A_2 = arith.constant 0 : index
    %get3A_3 = arith.constant 0 : index
    %get3A_4 = vector.load %arg1[%get3A_2, %get3A_3] : memref<8x128xf32, #tpu.memory_space<vmem>>, vector<8x128xf32>
    %add3A = arith.addf %get3A_1, %get3A_4 : vector<8x128xf32>
    %mul3A = arith.constant 2.000000e-05 : f32
    %mul3A_5 = vector.broadcast %mul3A : f32 to vector<8x128xf32>
    %mul3A_6 = arith.mulf %add3A, %mul3A_5 : vector<8x128xf32>
    %swap3A = arith.constant 0 : index
    %swap3A_7 = arith.constant 0 : index
    %swap3A_8 = vector.load %arg2[%swap3A, %swap3A_7] : memref<8x128xf32, #tpu.memory_space<vmem>>, vector<8x128xf32>
    tpu.vector_store %arg2[%swap3A, %swap3A_7], %mul3A_6 {strides = array<i32>} : memref<8x128xf32, #tpu.memory_space<vmem>>, vector<8x128xf32>,
    return
  }
}

</mosaic_0001>

<sc_bundles>
// kernel: kernel.5.cloned.1.call-start
scs
__scs_entry_jumppad:
0x0: {  	(pc) =	sbr.rel $0x88, $3  }
0x1: {  	(tag) =	ssettag $0x0;
	lr =	simm.s32 $0x1  }
0x2: {  	[smem:$0x3FA0] =	sst lr;
	_ =	strace $0xD0000000  }
0x3: {  	_ = 	snop  }
0x4: {  	_ = 	snop  }
0x5: {  	_ = 	snop  }
0x6: {  	_ = 	snop  }
0x7: {  	_ = 	snop  }
__scs_overlays_trampoline_lowered:
0x8: {  	[smem:$0x3FAF] =	sst s0  }
0x9: {  	[smem:$0x3FB0] =	sst s1  }
0xa: {  	[smem:$0x3FB1] =	sst s2  }
0xb: {  	[smem:$0x3FB2] =	sst s3  }
0xc: {  	[smem:$0x3FB3] =	sst s4  }
0xd: {  	[smem:$0x3FB4] =	sst s5  }
0xe: {  	[smem:$0x3FB5] =	sst s6  }
0xf: {  	[smem:$0x3FB6] =	sst s7  }
0x10: {  	[smem:$0x3FB7] =	sst s8  }
0x11: {  	[smem:$0x3FB8] =	sst s9;
	s0 =	simm.s32 @!p0 $0x0  }
0x12: {  	s1 =	sld [smem:$0x3F9E];
	s0 =	simm.s32 @p0 $0x1  }
0x13: {  	[smem:$0x3FB9] =	sst s0;
	s0 =	simm.s32 @!p1 $0x0  }
0x14: {  	s2 =	sld [smem:$0x3F9D];
	s0 =	simm.s32 @p1 $0x1  }
0x15: {  	[smem:$0x3FBA] =	sst s0;
	s0 =	simm.s32 @!p2 $0x0  }
0x16: {  	s3 =	sld [smem:$0x3FDB];
	s0 =	simm.s32 @p2 $0x1  }
0x17: {  	s4 =	simm.s32 $0x1BF5;
	[smem:$0x3FBC] =	sst s0  }
0x18: {  	s0 =	sld [smem:$0x3F9F];
	_ =	swait.ge [sflag:s4], $0x0  }
0x19: {  	s7 =	sld [smem:$0x3FA0]  }
0x1a: {  	s8 =	sadd.s32 $0xFFFFE003, lr  }
0x1b: {  	s9 =	sadd.s32 $0xFFFFFEF7, lr;
	s5 =	simm.s32 $0xFFFFFFFF;
	p2 =	slt.u32 s8, $0xFFFFF086  }
0x1c: {  	p1 =	slt.u32 s9, $0xF7A;
	s5 =	simm.s32 @!p2 $0x0  }
0x1d: {  	s5 =	simm.s32 @p1 $0x1;
	p0 =	seq.s32 s7, s2  }
0x1e: {  	s7 =	smul.u32 @!p0 $0xF7A, s2;
	p2 =	seq.s32 @!p0 s5, $0x0  }
0x1f: {  	s9 =	smul.u32 $0xF7A, s1;
	s8 =	simm.s32 @!p0 $0x1BF5;
	p2 =	por !p2, p0  }
0x20: {  	[sflag:s8] =	ssyncset.s32 @!p0 $0xFFFFF086;
	s6 =	sadd.s32 @!p0 s3, s7;
	s7 =	simm.s32 @!p0 $0x108  }
0x21: {  	s3 =	sadd.s32 s3, s9;
	s6 =	sadd.s32 @!p0 $0x88, s6;
	s7 =	simm.s32 @p2 $0x1082  }
0x22: {  	[simem:s7], [sflag:s8] =	dma.local @!p0 [hbm:s6], $0xF7A  }
0x23: {  	s9 =	sor.u32 $0xD0000000, s2;
	s6 =	simm.s32 $0x108;
	_ =	swait.ge @!p0 [sflag:s8], $0x0  }
0x24: {  	s3 =	sadd.s32 $0x88, s3;
	s6 =	simm.s32 @!p1 $0x1082;
	[sflag:s4] =	ssyncset.s32 $0xFFFFF086  }
0x25: {  	[simem:s6], [sflag:s4] =	dma.local [hbm:s3], $0xF7A  }
0x26: {  	[smem:$0x3FA0] =	sst s1;
	(tag) =	ssettag s2;
	_ =	strace s9  }
0x27: {  	s1 =	sld [smem:$0x3FB0]  }
0x28: {  	s2 =	sld [smem:$0x3FB1]  }
0x29: {  	s4 =	sld [smem:$0x3FB3]  }
0x2a: {  	p0 =	seq.s32 s5, $0x0;
	s5 =	sld [smem:$0x3FB4]  }
0x2b: {  	s6 =	sld [smem:$0x3FB5]  }
0x2c: {  	s7 =	sld [smem:$0x3FB6]  }
0x2d: {  	s3 =	simm.s32 $0x108;
	s8 =	sld [smem:$0x3FB7]  }
0x2e: {  	s3 =	simm.s32 @!p0 $0x1082;
	s9 =	sld [smem:$0x3FB8]  }
0x2f: {  	lr =	sadd.s32 s0, s3;
	s0 =	sld [smem:$0x3FAF]  }
0x30: {  	s3 =	sld [smem:$0x3FB2]  }
0x31: {  	[smem:$0x3FBB] =	sst s10  }
0x32: {  	s10 =	sld [smem:$0x3FB9];
	_ =	sdelay $0x3  }
0x33: {  	p0 =	seq.s32 s10, $0x1;
	s10 =	sld [smem:$0x3FBB];
	_ =	sdelay $0x3  }
0x34: {  	[smem:$0x3FBB] =	sst s10  }
0x35: {  	s10 =	sld [smem:$0x3FBA];
	_ =	sdelay $0x3  }
0x36: {  	p1 =	seq.s32 s10, $0x1;
	s10 =	sld [smem:$0x3FBB];
	_ =	sdelay $0x3  }
0x37: {  	[smem:$0x3FBB] =	sst s10  }
0x38: {  	s10 =	sld [smem:$0x3FBC]  }
0x39: {  	_ = 	snop;
	(pc) =	sbr.ind lr, $3  }
0x3a: {  	_ = 	snop  }
0x3b: {  	_ = 	snop  }
0x3c: {  	p2 =	seq.s32 s10, $0x1;
	s10 =	sld [smem:$0x3FBB]  }
0x3d: {  	_ =	shalt  }
0x3e: {  	_ =	shalt  }
0x3f: {  	_ =	shalt  }
0x40: {  	_ =	shalt  }
0x41: {  	_ =	shalt  }
0x42: {  	_ =	shalt  }
0x43: {  	_ =	shalt  }
0x44: {  	_ =	shalt  }
0x45: {  	_ =	shalt  }
0x46: {  	_ =	shalt  }
0x47: {  	_ =	shalt  }
0x48: {  	_ =	shalt  }
0x49: {  	_ =	shalt  }
0x4a: {  	_ =	shalt  }
0x4b: {  	_ =	shalt  }
0x4c: {  	_ =	shalt  }
0x4d: {  	_ =	shalt  }
0x4e: {  	_ =	shalt  }
0x4f: {  	_ =	shalt  }
0x50: {  	_ =	shalt  }
0x51: {  	_ =	shalt  }
0x52: {  	_ =	shalt  }
0x53: {  	_ =	shalt  }
0x54: {  	_ =	shalt  }
0x55: {  	_ =	shalt  }
0x56: {  	_ =	shalt  }
0x57: {  	_ =	shalt  }
0x58: {  	_ =	shalt  }
0x59: {  	_ =	shalt  }
0x5a: {  	_ =	shalt  }
0x5b: {  	_ =	shalt  }
0x5c: {  	_ =	shalt  }
0x5d: {  	_ =	shalt  }
0x5e: {  	_ =	shalt  }
0x5f: {  	_ =	shalt  }
0x60: {  	_ =	shalt  }
0x61: {  	_ =	shalt  }
0x62: {  	_ =	shalt  }
0x63: {  	_ =	shalt  }
0x64: {  	_ =	shalt  }
0x65: {  	_ =	shalt  }
0x66: {  	_ =	shalt  }
0x67: {  	_ =	shalt  }
0x68: {  	_ =	shalt  }
0x69: {  	_ =	shalt  }
0x6a: {  	_ =	shalt  }
0x6b: {  	_ =	shalt  }
0x6c: {  	_ =	shalt  }
0x6d: {  	_ =	shalt  }
0x6e: {  	_ =	shalt  }
0x6f: {  	_ =	shalt  }
0x70: {  	_ =	shalt  }
0x71: {  	_ =	shalt  }
0x72: {  	_ =	shalt  }
0x73: {  	_ =	shalt  }
0x74: {  	_ =	shalt  }
0x75: {  	_ =	shalt  }
0x76: {  	_ =	shalt  }
0x77: {  	_ =	shalt  }
0x78: {  	_ =	shalt  }
0x79: {  	_ =	shalt  }
0x7a: {  	_ =	shalt  }
0x7b: {  	_ =	shalt  }
0x7c: {  	_ =	shalt  }
0x7d: {  	_ =	shalt  }
0x7e: {  	_ =	shalt  }
0x7f: {  	_ =	shalt  }
0x80: {  	_ =	shalt  }
0x81: {  	_ =	shalt  }
0x82: {  	_ =	shalt  }
0x83: {  	_ =	shalt  }
0x84: {  	_ =	shalt  }
0x85: {  	_ =	shalt  }
0x86: {  	_ =	shalt  }
0x87: {  	_ =	shalt  }
.Lfunc_end0:
.L_simem_size_0:
called_computation_lowered:
.L_overlay_start_0:
0x88: {  	s2 =	sld [smem:$0x3FD9]  }
0x89: {  	s3 =	sld [smem:$0x3FFE];
	_ =	sdelay $0x1  }
0x8a: {  	s1 =	srdreg.scid  }
0x8b: {  	s0 =	sand.u32 $0x1, s1  }
0x8c: {  	s18 =	sshll.u32 s0, $0xA;
	s2 =	sadd.s32 s3, s2  }
0x8d: {  	s2 =	sadd.s32 s2, s18  }
0x8e: {  	[smem:$0x3FC7] =	sst s2  }
0x8f: {  	_ = 	snop  }
0x90: {  	s2 =	sld [smem:$0x3FC9]  }
0x91: {  	s19 =	sld [smem:$0x3FD0];
	(tm) =	ssettm $0x1  }
0x92: {  	s4 =	sld [smem:$0x3FFB];
	_ =	sdelay $0x3  }
0x93: {  	_ =	strace s4  }
0x94: {  	s4 =	sld [smem:$0x3FFC];
	_ =	sdelay $0x3  }
0x95: {  	_ =	strace s4  }
0x96: {  	s4 =	sld [smem:$0x3FFD];
	_ =	sdelay $0x3  }
0x97: {  	_ =	strace s4  }
0x98: {  	_ =	strace $0x8FFFFFFF  }
0x99: {  	s20 =	sld [smem:$0x3FDB];
	_ =	sdelay $0x1  }
0x9a: {  	s5 =	simm.s32 $_scs_section_size  }
0x9b: {  	s6 =	simm.s32 $_size__tile_overlayer_lowered;
	s7 =	simm.s32 $_tile_overlayer_lowered  }
0x9c: {  	s23 =	simm.s32 $0x1BFF;
	s22 =	sshll.u32 s7, $0x1;
	s4 =	sadd.s32 s5, s20  }
0x9d: {  	s8 =	simm.s32 $0x0;
	s21 =	sshll.u32 s6, $0x1;
	s6 =	sadd.s32 s22, s4  }
0x9e: {  	[timem:s8], [sflag:s23] =	dma.local [hbm:s6], s21  }
0x9f: {  	_ =	swait.ge [sflag:s23], s21  }
0xa0: {  	s5 =	ssub.s32 $0x0, s21;
	[sflag:s23] =	ssyncset.done $0x0  }
0xa1: {  	[sflag:s23] =	ssyncadd.s32 s5;
	_ =	sdelay $0x1  }
0xa2: {  	s24 =	simm.s32 $0x1B8B  }
0xa3: {  	_ =	swait.ge [sflag:s24], $0x1  }
0xa4: {  	[sflag:s24] =	ssyncset.done $0x0  }
0xa5: {  	s25 =	simm.s32 $0x1B8E;
	[sflag:s24] =	ssyncadd.s32 $0xFFFFFFFF  }
0xa6: {  	s26 =	simm.s32 $execute0_lowered;
	[smem:$0x3FD2] =	sst s25  }
0xa7: {  	s5 =	sshll.u32 s26, $0x1;
	_ =	strace $0x80000046;
	[dreg:$0x1] =	wrdreg $0xFFFFFFFF  }
0xa8: {  	s28 =	simm.s32 $_size_execute0_lowered;
	s4 =	sadd.s32 s4, s5;
	[dreg:$0x0] =	wrdreg $0x0  }
0xa9: {  	s5 =	sshll.u32 s28, $0x1;
	[dreg:$0x2] =	wrdreg s4  }
0xaa: {  	[dreg:$0x3] =	wrdreg s5  }
0xab: {  	[dreg:$0x4] =	wrdreg $0xC0  }
0xac: {  	_ =	task [dreg:s8], $0x5FFFF  }
0xad: {  	[dreg:$0x1] =	wrdreg $0xFFFFFFFF  }
0xae: {  	[dreg:$0x0] =	wrdreg $0x60  }
0xaf: {  	[dreg:$0x2] =	wrdreg s2  }
0xb0: {  	[dreg:$0x3] =	wrdreg s19  }
0xb1: {  	[dreg:$0x4] =	wrdreg $0xFC800  }
0xb2: {  	[dreg:$0x5] =	wrdreg $0x9  }
0xb3: {  	_ =	task.clear_ibuf [dreg:s8], $0x6FFFF;
	_ =	strace $0x90000046  }
0xb4: {  	s29 =	simm.s32 $0x9;
	_ =	strace $0x80000048  }
0xb5: {  	_ =	swait.ge [sflag:s29], $0x1  }
0xb6: {  	[sflag:s29] =	ssyncadd.s32 $0xFFFFFFFF  }
0xb7: {  	_ =	strace $0x90000048  }
0xb8: {  	_ =	sfence  }
0xb9: {  	s30 =	sld [smem:$0x0];
	_ =	sdelay $0x2  }
0xba: {  	s31 =	sshll.u32 s1, $0xD;
	s1 =	sshrl.u32 s1, $0x2  }
0xbb: {  	s3 =	sand.u32 $0x4000, s31;
	s1 =	sadd.s32 s1, s30  }
0xbc: {  	s0 =	sor.u32 s3, s0;
	s1 =	sshll.u32 s1, $0x11  }
0xbd: {  	s0 =	sor.u32 s1, s0  }
0xbe: {  	s0 =	sadd.s32 $0x8F2B, s0  }
0xbf: {  	[sflag:s0] =	ssyncadd.remote.s32 $0x1  }
0xc0: {  	_ =	sfence.sel $0xFFFF  }
0xc1: {  	[dreg:$0x0] =	wrdreg $0xFFFFFFFF;
	(pc) =	sbr.abs _section_cstart, $3  }
0xc2: {  	[dreg:$0x1] =	wrdreg $0xFFFFFFFF  }
0xc3: {  	_ =	task.clear_ibuf [dreg:s8], $0x2FFFF;
	_ =	strace $0x9FFFFFFF  }
0xc4: {  	(tm) =	ssettm $0x7FFFFFFF  }
0xc5: {  	_ =	shalt  }
tec
execute0_lowered:
.L_overlay_start_1:
0x0: {  	(tag) =	ssettag $0x1  }
0x1: {  	s2 =	rddreg [dreg:$0x0]  }
0x2: {  	s10 =	rddreg [dreg:$0x1]  }
0x3: {  	s0 =	srdreg.scid;
	s5 =	simm.s32 $0x1;
	s9 =	rddreg [dreg:$0x2]  }
0x4: {  	s15 =	simm.s32 $0xFA80;
	s4 =	sand.u32 $0x1, s0;
	s0 =	stileid.u32  }
0x5: {  	s16 =	simm.s32 $0x0;
	s1 =	sshll.u32 s4, $0x4;
	s3 =	sand.u32 $0x3, s0  }
0x6: {  	s4 =	ssub.s32 $0x2, s4;
	s13 =	sshll.u32 s0, $0x7;
	s1 =	sor.u32 s0, s1  }
0x7: {  	p0 =	sne.s32 s3, $0x0;
	s6 =	smul.u32 $0x4E200, s3;
	p1 =	seq.s32 s1, $0x0  }
0x8: {  	s3 =	simm.s32 $0x0;
	s8 =	sshrl.u32 s4, $0x1;
	p1 =	por !p0, !p1  }
0x9: {  	s9 =	sadd.s32 s13, s9;
	s13 =	simm.s32 $0xFA00;
	p1 =	por !p1, !p1  }
0xa: {  	s1 =	sshrl.u32 s1, $0x2;
	[smem:$0x7FF] =	sst s3;
	s5 =	simm.s32 @!p1 $0x0  }
0xb: {  	s12 =	ssub.s32 s4, s8;
	s7 =	ssub.s32 s1, s5;
	s1 =	rddreg [dreg:$0x3]  }
0xc: {  	_ =	strace $0x80000047;
	s5 =	smul.u32 $0x61A800, s7;
	s31 =	sshll.u32 s7, $0x4  }
.Ltmp0:
0xd: {  	s4 =	simm.s32 $0x1;
	s14 =	sand.u32 $0x1FFFFFF0, s31;
	(pc) =	sbr.rel .LBB2_1-.Ltmp0, $4  }
0xe: {  	s11 =	sadd.s32 s6, s5;
	s10 =	sadd.s32 s10, s14;
	s14 =	simm.s32 $0x3  }
0xf: {  	s5 =	sadd.s32 $0x7D00, s11;
	s6 =	sshrl.u32 s11, $0x3;
	s7 =	sadd.s32 $0xFA00, s11  }
0x10: {  	s8 =	sadd.s32 $0x17700, s11;
	s11 =	smax.u32 s12, $0x1;
	s30 =	sshrl.u32 s5, $0x3  }
0x11: {  	s12 =	simm.s32 $0x2;
	s5 =	sadd.s32 s2, s6;
	s6 =	sadd.s32 s2, s30  }
.LBB2_18:
0x12: {  	[tilespmem:$0xFA00] =	vst v5  }
0x13: {  	[tilespmem:$0xFA10] =	vst v4  }
0x14: {  	[tilespmem:$0xFA20] =	vst v3  }
0x15: {  	[tilespmem:$0xFA30] =	vst v2  }
0x16: {  	[tilespmem:$0xFA40] =	vst v11  }
0x17: {  	[tilespmem:$0xFA50] =	vst v10  }
0x18: {  	[tilespmem:$0xFA60] =	vst v9  }
0x19: {  	[tilespmem:$0xFA70] =	vst v8  }
0x1a: {  	[spmem:s9] =	stream.linear.scatter [tilespmem:s13], [sflag:$0x3], $0x80, $0x38;
	[tilespmem:$0xFD00] =	vst v63  }
.Ltmp1:
0x1b: {  	_ =	swait.ge [sflag:s14], $0x80;
	(pc) =	sbr.rel @!p0 .LBB2_19-.Ltmp1, $3  }
0x1c: {  	[sflag:s14] =	ssyncset.done $0x0  }
0x1d: {  	[sflag:s14] =	ssyncadd.s32 $0xFFFFFF80  }
0x1e: {  	[bflag:$0x0] =	sbarrier.arrive $0xFFFF;
	_ =	sdelay $0x1  }
.LBB2_20:
0x1f: {  	s16 =	sadd.s32 $0x1, s16  }
0x20: {  	p1 =	sne.s32 s16, s11  }
.Ltmp2:
0x21: {  	_ = 	snop;
	(pc) =	sbr.rel @!p1 .LBB2_21-.Ltmp2, $1  }
0x22: {  	_ =	sdelay $0x3  }
.LBB2_1:
0x23: {  	s17 =	simm.s32 $0x10  }
0x24: {  	s20 =	sadd.s32 $0x0, s5;
	s18 =	simm.s32 $0x100;
	s19 =	simm.s32 $0x0  }
.LBB2_2:
0x25: {  	[tilespmem:s19], [sflag:$0x1] =	stream.linear.gather [hbm4b:s20+s3], $0x80, $0x38;
	[tilespmem:$0xFD00] =	vst v63  }
0x26: {  	s20 =	smov.u32 s17;
	s19 =	smov.u32 s18;
	p1 =	sne.s32 s17, $0xF90  }
.Ltmp3:
0x27: {  	s17 =	sadd.s32 $0x10, s17;
	(pc) =	sbr.rel @p1 .LBB2_2-.Ltmp3, $2  }
0x28: {  	_ =	sdelay $0x2  }
0x29: {  	s18 =	sadd.s32 $0x100, s18;
	s20 =	sadd.s32 s20, s5  }
0x2a: {  	[tilespmem:s19], [sflag:$0x1] =	stream.linear.gather [hbm4b:s20+s3], $0x80, $0x38;
	[tilespmem:$0xFD00] =	vst v63  }
0x2b: {  	s17 =	simm.s32 $0x0;
	s18 =	simm.s32 $0x80;
	s19 =	simm.s32 $0x0  }
.LBB2_4:
0x2c: {  	p1 =	sne.s32 s19, $0xF90  }
.Ltmp4:
0x2d: {  	_ = 	snop;
	(pc) =	sbr.rel @p1 .LBB2_4-.Ltmp4, $4  }
0x2e: {  	_ = 	snop  }
0x2f: {  	s20 =	sadd.s32 s19, s6  }
0x30: {  	[tilespmem:s18], [sflag:$0x2] =	stream.linear.gather [hbm4b:s20+s17], $0x80, $0x38;
	[tilespmem:$0xFD00] =	vst v63  }
0x31: {  	s19 =	sadd.s32 $0x10, s19;
	s18 =	sadd.s32 $0x100, s18  }
0x32: {  	v8 =	vimm.f32 $0.0e+00;
	v9 =	vimm.f32 $0.0e+00  }
0x33: {  	v10 =	vimm.f32 $0.0e+00;
	v11 =	vimm.f32 $0.0e+00;
	v2 =	vimm.f32 $0.0e+00  }
0x34: {  	v3 =	vimm.f32 $0.0e+00;
	v4 =	vimm.f32 $0.0e+00;
	v5 =	vimm.f32 $0.0e+00  }
.LBB2_6:
0x35: {  	_ =	swait.ge [sflag:s4], $0x7D00  }
0x36: {  	[sflag:s4] =	ssyncset.done $0x0  }
0x37: {  	s19 =	simm.s32 $0x200;
	[sflag:s4] =	ssyncadd.s32 $0xFFFF8300  }
0x38: {  	v12 =	vld [tilespmem:s19+$0x100]  }
0x39: {  	v14 =	vld [tilespmem:s19+$0x110]  }
0x3a: {  	v15 =	vld [tilespmem:s19+$0x120]  }
0x3b: {  	v17 =	vld [tilespmem:s19+$0x130]  }
0x3c: {  	v0 =	vld [tilespmem:s19+$0x140]  }
0x3d: {  	v1 =	vld [tilespmem:s19+$0x150]  }
0x3e: {  	v13 =	vld [tilespmem:s19+$0x0]  }
0x3f: {  	v16 =	vld [tilespmem:s19+$0x10]  }
0x40: {  	v18 =	vld [tilespmem:s19+$0x20]  }
0x41: {  	v19 =	vld [tilespmem:s19+$0x30]  }
0x42: {  	v6 =	vld [tilespmem:s19+$0x40]  }
0x43: {  	v7 =	vld [tilespmem:s19+$0x50]  }
0x44: {  	v20 =	vld [tilespmem:s19+$0xFFFFFF00]  }
0x45: {  	v21 =	vld [tilespmem:s19+$0xFFFFFF10]  }
0x46: {  	v22 =	vld [tilespmem:s19+$0xFFFFFE00]  }
0x47: {  	v23 =	vld [tilespmem:s19+$0xFFFFFE10]  }
0x48: {  	v24 =	vld [tilespmem:s19+$0xFFFFFE20]  }
0x49: {  	v25 =	vld [tilespmem:s19+$0xFFFFFE30]  }
0x4a: {  	v26 =	vld [tilespmem:s19+$0xFFFFFF20]  }
0x4b: {  	v27 =	vld [tilespmem:s19+$0xFFFFFF30]  }
0x4c: {  	v28 =	vld [tilespmem:s19+$0xFFFFFF40]  }
0x4d: {  	v5 =	vadd.f32 v22, v5;
	v4 =	vadd.f32 v23, v4;
	v22 =	vld [tilespmem:s19+$0xFFFFFE40]  }
0x4e: {  	v3 =	vadd.f32 v24, v3;
	v2 =	vadd.f32 v25, v2;
	v23 =	vld [tilespmem:s19+$0xFFFFFE50]  }
0x4f: {  	v25 =	vld [tilespmem:s19+$0xFFFFFE70];
	v5 =	vadd.f32 v20, v5;
	v4 =	vadd.f32 v21, v4  }
0x50: {  	v29 =	vld [tilespmem:s19+$0xFFFFFF50];
	v3 =	vadd.f32 v26, v3;
	v2 =	vadd.f32 v27, v2  }
0x51: {  	v20 =	vld [tilespmem:s19+$0xFFFFFE60];
	v5 =	vadd.f32 v13, v5;
	v4 =	vadd.f32 v16, v4  }
0x52: {  	v13 =	vld [tilespmem:s19+$0xFFFFFF60];
	v18 =	vadd.f32 v18, v3;
	v19 =	vadd.f32 v19, v2  }
0x53: {  	v16 =	vld [tilespmem:s19+$0xFFFFFF70];
	v11 =	vadd.f32 v22, v11;
	v10 =	vadd.f32 v23, v10  }
0x54: {  	v21 =	vld [tilespmem:s19+$0x60];
	v25 =	vadd.f32 v25, v8;
	v2 =	vadd.f32 v12, v5  }
0x55: {  	v22 =	vld [tilespmem:s19+$0x70];
	v3 =	vadd.f32 v14, v4;
	v4 =	vadd.f32 v15, v18  }
0x56: {  	v27 =	vld [tilespmem:s19+$0x170];
	v5 =	vadd.f32 v17, v19;
	v24 =	vadd.f32 v20, v9  }
0x57: {  	s18 =	simm.s32 $0x0;
	v23 =	vld [tilespmem:s19+$0x160];
	s19 =	simm.s32 $0x600;
	v26 =	vadd.f32 v28, v11;
	v28 =	vadd.f32 v29, v10  }
.LBB2_7:
0x58: {  	v8 =	vld [tilespmem:s19+$0x100];
	v9 =	vadd.f32 v13, v24;
	v10 =	vadd.f32 v16, v25  }
0x59: {  	v11 =	vld [tilespmem:s19+$0x110];
	v6 =	vadd.f32 v6, v26;
	v7 =	vadd.f32 v7, v28  }
0x5a: {  	v12 =	vld [tilespmem:s19+$0x120];
	v9 =	vadd.f32 v21, v9;
	v10 =	vadd.f32 v22, v10  }
0x5b: {  	v14 =	vld [tilespmem:s19+$0x130];
	v15 =	vadd.f32 v0, v6;
	v17 =	vadd.f32 v1, v7  }
0x5c: {  	v0 =	vld [tilespmem:s19+$0x140];
	v9 =	vadd.f32 v23, v9;
	v10 =	vadd.f32 v27, v10  }
0x5d: {  	v1 =	vld [tilespmem:s19+$0x150]  }
0x5e: {  	v13 =	vld [tilespmem:s19+$0x0]  }
0x5f: {  	v16 =	vld [tilespmem:s19+$0x10]  }
0x60: {  	v18 =	vld [tilespmem:s19+$0x20]  }
0x61: {  	v19 =	vld [tilespmem:s19+$0x30]  }
0x62: {  	v6 =	vld [tilespmem:s19+$0x40]  }
0x63: {  	v7 =	vld [tilespmem:s19+$0x50]  }
0x64: {  	v20 =	vld [tilespmem:s19+$0xFFFFFF00]  }
0x65: {  	v21 =	vld [tilespmem:s19+$0xFFFFFF10]  }
0x66: {  	v22 =	vld [tilespmem:s19+$0xFFFFFE00]  }
0x67: {  	v23 =	vld [tilespmem:s19+$0xFFFFFE10]  }
0x68: {  	v24 =	vld [tilespmem:s19+$0xFFFFFE20]  }
0x69: {  	v25 =	vld [tilespmem:s19+$0xFFFFFE30]  }
0x6a: {  	v26 =	vld [tilespmem:s19+$0xFFFFFF20]  }
0x6b: {  	v27 =	vld [tilespmem:s19+$0xFFFFFF30]  }
0x6c: {  	v28 =	vld [tilespmem:s19+$0xFFFFFF40]  }
0x6d: {  	v2 =	vadd.f32 v22, v2;
	v3 =	vadd.f32 v23, v3;
	v29 =	vld [tilespmem:s19+$0xFFFFFF50]  }
0x6e: {  	v4 =	vadd.f32 v24, v4;
	v5 =	vadd.f32 v25, v5;
	v22 =	vld [tilespmem:s19+$0xFFFFFE40]  }
0x6f: {  	v2 =	vadd.f32 v20, v2;
	v3 =	vadd.f32 v21, v3;
	v23 =	vld [tilespmem:s19+$0xFFFFFE50]  }
0x70: {  	v4 =	vadd.f32 v26, v4;
	v20 =	vld [tilespmem:s19+$0xFFFFFE60];
	v5 =	vadd.f32 v27, v5  }
0x71: {  	s18 =	sadd.s32 $0x4, s18;
	v2 =	vadd.f32 v13, v2;
	v3 =	vadd.f32 v16, v3;
	v25 =	vld [tilespmem:s19+$0xFFFFFE70]  }
0x72: {  	p1 =	slt.u32 s18, $0xF4;
	v4 =	vadd.f32 v18, v4;
	v13 =	vld [tilespmem:s19+$0xFFFFFF60];
	v5 =	vadd.f32 v19, v5  }
.Ltmp5:
0x73: {  	v2 =	vadd.f32 v8, v2;
	v3 =	vadd.f32 v11, v3;
	v16 =	vld [tilespmem:s19+$0xFFFFFF70];
	(pc) =	sbr.rel @p1 .LBB2_7-.Ltmp5, $4  }
0x74: {  	v4 =	vadd.f32 v12, v4;
	v21 =	vld [tilespmem:s19+$0x60];
	v5 =	vadd.f32 v14, v5  }
0x75: {  	v8 =	vadd.f32 v22, v15;
	v11 =	vadd.f32 v23, v17;
	v22 =	vld [tilespmem:s19+$0x70]  }
0x76: {  	v24 =	vadd.f32 v20, v9;
	v25 =	vadd.f32 v25, v10;
	v23 =	vld [tilespmem:s19+$0x160]  }
0x77: {  	v26 =	vadd.f32 v28, v8;
	v28 =	vadd.f32 v29, v11;
	v27 =	vld [tilespmem:s19+$0x170];
	s19 =	sadd.s32 $0x400, s19  }
0x78: {  	v19 =	vld [tilespmem:$0xF800]  }
0x79: {  	v20 =	vld [tilespmem:$0xF810]  }
0x7a: {  	v17 =	vld [tilespmem:$0xF820]  }
0x7b: {  	v18 =	vld [tilespmem:$0xF830]  }
0x7c: {  	v14 =	vld [tilespmem:$0xF840]  }
0x7d: {  	v15 =	vld [tilespmem:$0xF850]  }
0x7e: {  	v11 =	vld [tilespmem:$0xF860]  }
0x7f: {  	v12 =	vld [tilespmem:$0xF870]  }
0x80: {  	v9 =	vld [tilespmem:$0xF900]  }
0x81: {  	v10 =	vld [tilespmem:$0xF910]  }
0x82: {  	v8 =	vld [tilespmem:$0xF920];
	p1 =	seq.s32 s17, $0x4  }
.Ltmp6:
0x83: {  	v24 =	vadd.f32 v13, v24;
	v25 =	vadd.f32 v16, v25;
	v13 =	vld [tilespmem:$0xF930];
	(pc) =	sbr.rel @p1 .LBB2_12-.Ltmp6, $4  }
0x84: {  	v16 =	vld [tilespmem:$0xF940];
	v6 =	vadd.f32 v6, v26;
	v7 =	vadd.f32 v7, v28  }
0x85: {  	v26 =	vadd.f32 v21, v24;
	v28 =	vadd.f32 v22, v25;
	v21 =	vld [tilespmem:$0xF950]  }
0x86: {  	v22 =	vld [tilespmem:$0xF960];
	v24 =	vadd.f32 v0, v6;
	v25 =	vadd.f32 v1, v7  }
0x87: {  	v26 =	vadd.f32 v23, v26;
	v27 =	vadd.f32 v27, v28;
	v23 =	vld [tilespmem:$0xF970]  }
0x88: {  	s18 =	smul.u32 $0xFA00, s17;
	_ =	sdelay $0x1  }
0x89: {  	s18 =	sadd.s32 s18, s7  }
0x8a: {  	s18 =	sshrl.u32 s18, $0x3  }
0x8b: {  	s19 =	simm.s32 $0x0;
	s18 =	sadd.s32 s2, s18  }
0x8c: {  	s20 =	simm.s32 $0x10;
	s21 =	simm.s32 $0x100;
	s22 =	sadd.s32 $0x0, s18  }
.LBB2_10:
0x8d: {  	[tilespmem:s19], [sflag:$0x1] =	stream.linear.gather [hbm4b:s22+s3], $0x80, $0x38;
	[tilespmem:$0xFD00] =	vst v63  }
0x8e: {  	s22 =	smov.u32 s20;
	s19 =	smov.u32 s21;
	p2 =	sne.s32 s20, $0xF90  }
.Ltmp7:
0x8f: {  	s20 =	sadd.s32 $0x10, s20;
	(pc) =	sbr.rel @p2 .LBB2_10-.Ltmp7, $2  }
0x90: {  	_ =	sdelay $0x2  }
0x91: {  	s21 =	sadd.s32 $0x100, s21;
	s22 =	sadd.s32 s22, s18  }
0x92: {  	[tilespmem:s19], [sflag:$0x1] =	stream.linear.gather [hbm4b:s22+s3], $0x80, $0x38;
	[tilespmem:$0xFD00] =	vst v63  }
.LBB2_12:
0x93: {  	_ =	swait.ge [sflag:s12], $0x7D00  }
0x94: {  	[sflag:s12] =	ssyncset.done $0x0  }
0x95: {  	s19 =	simm.s32 $0x280;
	[sflag:s12] =	ssyncadd.s32 $0xFFFF8300  }
0x96: {  	v28 =	vld [tilespmem:s19+$0x100]  }
0x97: {  	v29 =	vld [tilespmem:s19+$0x110]  }
0x98: {  	v30 =	vld [tilespmem:s19+$0x120]  }
0x99: {  	v31 =	vld [tilespmem:s19+$0x130]  }
0x9a: {  	v0 =	vld [tilespmem:s19+$0x140]  }
0x9b: {  	v1 =	vld [tilespmem:s19+$0x150]  }
0x9c: {  	v32 =	vld [tilespmem:s19+$0x0]  }
0x9d: {  	v33 =	vld [tilespmem:s19+$0x10]  }
0x9e: {  	v34 =	vld [tilespmem:s19+$0x20]  }
0x9f: {  	v35 =	vld [tilespmem:s19+$0x30]  }
0xa0: {  	v6 =	vld [tilespmem:s19+$0x40]  }
0xa1: {  	v7 =	vld [tilespmem:s19+$0x50]  }
0xa2: {  	v36 =	vld [tilespmem:s19+$0xFFFFFF00]  }
0xa3: {  	v2 =	vadd.f32 v19, v2;
	v3 =	vadd.f32 v20, v3;
	v19 =	vld [tilespmem:s19+$0xFFFFFF10]  }
0xa4: {  	v4 =	vadd.f32 v17, v4;
	v5 =	vadd.f32 v18, v5;
	v17 =	vld [tilespmem:s19+$0xFFFFFE00]  }
0xa5: {  	v14 =	vadd.f32 v14, v24;
	v15 =	vadd.f32 v15, v25;
	v18 =	vld [tilespmem:s19+$0xFFFFFE10]  }
0xa6: {  	v11 =	vadd.f32 v11, v26;
	v12 =	vadd.f32 v12, v27;
	v60 =	vld [tilespmem:s19+$0xFFFFFE20]  }
0xa7: {  	v2 =	vadd.f32 v9, v2;
	v3 =	vadd.f32 v10, v3;
	v9 =	vld [tilespmem:s19+$0xFFFFFE30]  }
0xa8: {  	v10 =	vadd.f32 v16, v14;
	v16 =	vadd.f32 v23, v12;
	v12 =	vld [tilespmem:s19+$0xFFFFFE40]  }
0xa9: {  	v4 =	vadd.f32 v8, v4;
	v5 =	vadd.f32 v13, v5;
	v8 =	vld [tilespmem:s19+$0xFFFFFF20]  }
0xaa: {  	v13 =	vadd.f32 v21, v15;
	v14 =	vld [tilespmem:s19+$0xFFFFFF30];
	v15 =	vadd.f32 v22, v11  }
0xab: {  	v61 =	vld [tilespmem:s19+$0xFFFFFF40];
	v2 =	vadd.f32 v17, v2;
	v3 =	vadd.f32 v18, v3  }
0xac: {  	v4 =	vadd.f32 v60, v4;
	v5 =	vadd.f32 v9, v5;
	v18 =	vld [tilespmem:s19+$0xFFFFFE50]  }
0xad: {  	v62 =	vld [tilespmem:s19+$0xFFFFFE70];
	v63 =	vadd.f32 v12, v10;
	v2 =	vadd.f32 v36, v2  }
0xae: {  	v11 =	vld [tilespmem:s19+$0xFFFFFF70];
	v3 =	vadd.f32 v19, v3;
	v4 =	vadd.f32 v8, v4  }
0xaf: {  	v19 =	vld [tilespmem:s19+$0xFFFFFE60];
	v5 =	vadd.f32 v14, v5;
	v2 =	vadd.f32 v32, v2  }
0xb0: {  	v17 =	vld [tilespmem:s19+$0xFFFFFF50];
	v3 =	vadd.f32 v33, v3;
	v4 =	vadd.f32 v34, v4  }
0xb1: {  	v8 =	vld [tilespmem:s19+$0xFFFFFF60];
	v5 =	vadd.f32 v35, v5;
	v13 =	vadd.f32 v18, v13  }
0xb2: {  	v9 =	vld [tilespmem:s19+$0x60];
	v2 =	vadd.f32 v28, v2;
	v3 =	vadd.f32 v29, v3  }
0xb3: {  	v12 =	vld [tilespmem:s19+$0x70];
	v4 =	vadd.f32 v30, v4;
	v5 =	vadd.f32 v31, v5  }
0xb4: {  	v10 =	vld [tilespmem:s19+$0x160];
	v14 =	vadd.f32 v19, v15;
	v15 =	vadd.f32 v62, v16  }
0xb5: {  	s18 =	simm.s32 $0x0;
	v16 =	vadd.f32 v61, v63;
	v17 =	vadd.f32 v17, v13;
	v13 =	vld [tilespmem:s19+$0x170];
	s19 =	simm.s32 $0x680  }
.LBB2_13:
0xb6: {  	v18 =	vld [tilespmem:s19+$0x100];
	v8 =	vadd.f32 v8, v14;
	v11 =	vadd.f32 v11, v15  }
0xb7: {  	v14 =	vld [tilespmem:s19+$0x110];
	v6 =	vadd.f32 v6, v16;
	v7 =	vadd.f32 v7, v17  }
0xb8: {  	v15 =	vld [tilespmem:s19+$0x120];
	v8 =	vadd.f32 v9, v8;
	v9 =	vadd.f32 v12, v11  }
0xb9: {  	v12 =	vld [tilespmem:s19+$0x130];
	v16 =	vadd.f32 v0, v6;
	v17 =	vadd.f32 v1, v7  }
0xba: {  	v0 =	vld [tilespmem:s19+$0x140];
	v10 =	vadd.f32 v10, v8;
	v13 =	vadd.f32 v13, v9  }
0xbb: {  	v1 =	vld [tilespmem:s19+$0x150]  }
0xbc: {  	v8 =	vld [tilespmem:s19+$0x0]  }
0xbd: {  	v9 =	vld [tilespmem:s19+$0x10]  }
0xbe: {  	v11 =	vld [tilespmem:s19+$0x20]  }
0xbf: {  	v19 =	vld [tilespmem:s19+$0x30]  }
0xc0: {  	v6 =	vld [tilespmem:s19+$0x40]  }
0xc1: {  	v7 =	vld [tilespmem:s19+$0x50]  }
0xc2: {  	v20 =	vld [tilespmem:s19+$0xFFFFFF00]  }
0xc3: {  	v21 =	vld [tilespmem:s19+$0xFFFFFF10]  }
0xc4: {  	v22 =	vld [tilespmem:s19+$0xFFFFFE00]  }
0xc5: {  	v23 =	vld [tilespmem:s19+$0xFFFFFE10]  }
0xc6: {  	v24 =	vld [tilespmem:s19+$0xFFFFFE20]  }
0xc7: {  	v25 =	vld [tilespmem:s19+$0xFFFFFE30]  }
0xc8: {  	v26 =	vld [tilespmem:s19+$0xFFFFFF20]  }
0xc9: {  	v27 =	vld [tilespmem:s19+$0xFFFFFF30]  }
0xca: {  	v28 =	vld [tilespmem:s19+$0xFFFFFF40]  }
0xcb: {  	v2 =	vadd.f32 v22, v2;
	v3 =	vadd.f32 v23, v3;
	v22 =	vld [tilespmem:s19+$0xFFFFFF50]  }
0xcc: {  	v4 =	vadd.f32 v24, v4;
	v5 =	vadd.f32 v25, v5;
	v23 =	vld [tilespmem:s19+$0xFFFFFE40]  }
0xcd: {  	v2 =	vadd.f32 v20, v2;
	v3 =	vadd.f32 v21, v3;
	v24 =	vld [tilespmem:s19+$0xFFFFFE50]  }
0xce: {  	v4 =	vadd.f32 v26, v4;
	v20 =	vld [tilespmem:s19+$0xFFFFFE60];
	v5 =	vadd.f32 v27, v5  }
0xcf: {  	s18 =	sadd.s32 $0x4, s18;
	v2 =	vadd.f32 v8, v2;
	v3 =	vadd.f32 v9, v3;
	v21 =	vld [tilespmem:s19+$0xFFFFFE70]  }
0xd0: {  	p2 =	slt.u32 s18, $0xF4;
	v4 =	vadd.f32 v11, v4;
	v8 =	vld [tilespmem:s19+$0xFFFFFF60];
	v5 =	vadd.f32 v19, v5  }
.Ltmp8:
0xd1: {  	v2 =	vadd.f32 v18, v2;
	v3 =	vadd.f32 v14, v3;
	v11 =	vld [tilespmem:s19+$0xFFFFFF70];
	(pc) =	sbr.rel @p2 .LBB2_13-.Ltmp8, $4  }
0xd2: {  	v4 =	vadd.f32 v15, v4;
	v9 =	vld [tilespmem:s19+$0x60];
	v5 =	vadd.f32 v12, v5  }
0xd3: {  	v16 =	vadd.f32 v23, v16;
	v17 =	vadd.f32 v24, v17;
	v12 =	vld [tilespmem:s19+$0x70]  }
0xd4: {  	v14 =	vadd.f32 v20, v10;
	v15 =	vadd.f32 v21, v13;
	v10 =	vld [tilespmem:s19+$0x160]  }
0xd5: {  	v16 =	vadd.f32 v28, v16;
	v17 =	vadd.f32 v22, v17;
	v13 =	vld [tilespmem:s19+$0x170];
	s19 =	sadd.s32 $0x400, s19  }
0xd6: {  	v18 =	vld [tilespmem:$0xF880]  }
0xd7: {  	v19 =	vld [tilespmem:$0xF890]  }
0xd8: {  	v20 =	vld [tilespmem:$0xF8A0]  }
0xd9: {  	v21 =	vld [tilespmem:$0xF8B0]  }
0xda: {  	v22 =	vld [tilespmem:$0xF8C0]  }
0xdb: {  	v23 =	vld [tilespmem:$0xF8D0]  }
0xdc: {  	v24 =	vld [tilespmem:$0xF8E0]  }
0xdd: {  	v25 =	vld [tilespmem:$0xF8F0]  }
0xde: {  	v8 =	vadd.f32 v8, v14;
	v11 =	vadd.f32 v11, v15;
	v58 =	vld [tilespmem:$0xF980]  }
0xdf: {  	v59 =	vld [tilespmem:$0xF990];
	v6 =	vadd.f32 v6, v16;
	v7 =	vadd.f32 v7, v17  }
0xe0: {  	v62 =	vld [tilespmem:$0xF9E0];
	v8 =	vadd.f32 v9, v8;
	v9 =	vadd.f32 v12, v11  }
0xe1: {  	v63 =	vld [tilespmem:$0xF9F0];
	v0 =	vadd.f32 v0, v6;
	v1 =	vadd.f32 v1, v7  }
0xe2: {  	v11 =	vld [tilespmem:$0xF9A0];
	v7 =	vadd.f32 v10, v8;
	v8 =	vadd.f32 v13, v9  }
0xe3: {  	v6 =	vld [tilespmem:$0xF9B0];
	v2 =	vadd.f32 v18, v2;
	v3 =	vadd.f32 v19, v3  }
0xe4: {  	v9 =	vld [tilespmem:$0xF9C0];
	v60 =	vadd.f32 v20, v4;
	v61 =	vadd.f32 v21, v5  }
0xe5: {  	v10 =	vld [tilespmem:$0xF9D0];
	v0 =	vadd.f32 v22, v0;
	v1 =	vadd.f32 v23, v1  }
.Ltmp9:
0xe6: {  	v7 =	vadd.f32 v24, v7;
	v8 =	vadd.f32 v25, v8;
	(pc) =	sbr.rel @p1 .LBB2_18-.Ltmp9, $4  }
0xe7: {  	v5 =	vadd.f32 v58, v2;
	v4 =	vadd.f32 v59, v3  }
0xe8: {  	v3 =	vadd.f32 v11, v60;
	v2 =	vadd.f32 v6, v61  }
0xe9: {  	v8 =	vadd.f32 v63, v8;
	v11 =	vadd.f32 v9, v0  }
0xea: {  	v10 =	vadd.f32 v10, v1;
	v9 =	vadd.f32 v62, v7  }
0xeb: {  	s18 =	smul.u32 $0xFA00, s17;
	_ =	sdelay $0x1  }
0xec: {  	s18 =	sadd.s32 s18, s8  }
0xed: {  	s18 =	sshrl.u32 s18, $0x3  }
0xee: {  	s19 =	simm.s32 $0x80;
	s18 =	sadd.s32 s2, s18  }
0xef: {  	s20 =	simm.s32 $0x10;
	s21 =	simm.s32 $0x180;
	s22 =	sadd.s32 $0x0, s18  }
.LBB2_16:
0xf0: {  	[tilespmem:s19], [sflag:$0x2] =	stream.linear.gather [hbm4b:s22+s3], $0x80, $0x38;
	[tilespmem:$0xFD00] =	vst v63  }
0xf1: {  	s22 =	smov.u32 s20;
	s19 =	smov.u32 s21;
	p1 =	sne.s32 s20, $0xF90  }
.Ltmp10:
0xf2: {  	s20 =	sadd.s32 $0x10, s20;
	(pc) =	sbr.rel @p1 .LBB2_16-.Ltmp10, $2  }
0xf3: {  	_ =	sdelay $0x2  }
0xf4: {  	s21 =	sadd.s32 $0x100, s21;
	s22 =	sadd.s32 s22, s18  }
.Ltmp11:
0xf5: {  	(pc) =	sbr.rel .LBB2_6-.Ltmp11, $3  }
0xf6: {  	_ =	sdelay $0x1  }
0xf7: {  	[tilespmem:s19], [sflag:$0x2] =	stream.linear.gather [hbm4b:s22+s3], $0x80, $0x38;
	[tilespmem:$0xFD00] =	vst v63  }
0xf8: {  	s17 =	sadd.s32 $0x1, s17  }
.LBB2_19:
0xf9: {  	[tilespmem:s15], [sflag:$0x3] =	stream.linear.gather [spmem:s9], $0x200, $0x38;
	[tilespmem:$0xFD00] =	vst v63  }
0xfa: {  	_ =	swait.ge [sflag:s14], $0x200  }
0xfb: {  	[sflag:s14] =	ssyncset.done $0x0  }
0xfc: {  	[sflag:s14] =	ssyncadd.s32 $0xFFFFFE00  }
0xfd: {  	v0 =	vld [tilespmem:$0xFA80]  }
0xfe: {  	v1 =	vld [tilespmem:$0xFB00]  }
0xff: {  	v2 =	vld [tilespmem:$0xFB80]  }
0x100: {  	v3 =	vld [tilespmem:$0xFC00]  }
0x101: {  	v4 =	vld [tilespmem:$0xFA90]  }
0x102: {  	v5 =	vld [tilespmem:$0xFB10]  }
0x103: {  	v6 =	vld [tilespmem:$0xFB90]  }
0x104: {  	v7 =	vld [tilespmem:$0xFC10]  }
0x105: {  	v8 =	vld [tilespmem:$0xFAA0]  }
0x106: {  	v9 =	vld [tilespmem:$0xFB20]  }
0x107: {  	v10 =	vld [tilespmem:$0xFBA0]  }
0x108: {  	v11 =	vld [tilespmem:$0xFC20]  }
0x109: {  	v12 =	vld [tilespmem:$0xFAB0]  }
0x10a: {  	v13 =	vld [tilespmem:$0xFB30]  }
0x10b: {  	v14 =	vld [tilespmem:$0xFBB0]  }
0x10c: {  	v15 =	vld [tilespmem:$0xFC30]  }
0x10d: {  	v16 =	vld [tilespmem:$0xFAC0]  }
0x10e: {  	v17 =	vld [tilespmem:$0xFB40]  }
0x10f: {  	v18 =	vld [tilespmem:$0xFBC0]  }
0x110: {  	v20 =	vld [tilespmem:$0xFAD0]  }
0x111: {  	v21 =	vld [tilespmem:$0xFB50]  }
0x112: {  	v47 =	vld [tilespmem:$0xFAE0]  }
0x113: {  	v49 =	vld [tilespmem:$0xFB60]  }
0x114: {  	v22 =	vld [tilespmem:$0xFBD0]  }
0x115: {  	v46 =	vld [tilespmem:$0xFC50];
	v0 =	vadd.f32 v1, v0;
	v4 =	vadd.f32 v5, v4  }
0x116: {  	v51 =	vld [tilespmem:$0xFAF0];
	v48 =	vadd.f32 v9, v8;
	v50 =	vadd.f32 v13, v12  }
0x117: {  	v53 =	vld [tilespmem:$0xFBE0];
	v54 =	vadd.f32 v17, v16;
	v56 =	vadd.f32 v21, v20  }
0x118: {  	v52 =	vld [tilespmem:$0xFB70];
	v5 =	vadd.f32 v49, v47;
	v0 =	vadd.f32 v2, v0  }
0x119: {  	v55 =	vld [tilespmem:$0xFBF0];
	v4 =	vadd.f32 v6, v4;
	v2 =	vadd.f32 v10, v48  }
0x11a: {  	v57 =	vld [tilespmem:$0xFC60];
	v6 =	vadd.f32 v14, v50;
	v0 =	vadd.f32 v3, v0  }
0x11b: {  	v19 =	vld [tilespmem:$0xFC40];
	v60 =	vadd.f32 v22, v56;
	v4 =	vadd.f32 v7, v4  }
0x11c: {  	v59 =	vld [tilespmem:$0xFC70];
	v61 =	vadd.f32 v53, v5;
	v2 =	vadd.f32 v11, v2;
	[tilespmem:$0xFA00] =	vst v0  }
0x11d: {  	v6 =	vadd.f32 v15, v6;
	v3 =	vadd.f32 v52, v51;
	[tilespmem:$0xFA10] =	vst v4  }
0x11e: {  	v58 =	vadd.f32 v18, v54;
	v1 =	vadd.f32 v46, v60;
	[tilespmem:$0xFA20] =	vst v2  }
0x11f: {  	v62 =	vadd.f32 v57, v61;
	[tilespmem:$0xFA30] =	vst v6;
	v3 =	vadd.f32 v55, v3  }
0x120: {  	v0 =	vadd.f32 v19, v58;
	[tilespmem:$0xFA50] =	vst v1  }
0x121: {  	[tilespmem:$0xFA60] =	vst v62;
	v63 =	vadd.f32 v59, v3  }
0x122: {  	[tilespmem:$0xFA40] =	vst v0  }
.Ltmp12:
0x123: {  	[tilespmem:$0xFA70] =	vst v63;
	(pc) =	sbr.rel .LBB2_20-.Ltmp12, $4  }
0x124: {  	[hbm4b:s10+s3] =	stream.linear.scatter [tilespmem:s13], [sflag:$0x3], $0x80, $0x38;
	[tilespmem:$0xFD00] =	vst v63  }
0x125: {  	_ =	swait.ge [sflag:s14], $0x80  }
0x126: {  	[sflag:s14] =	ssyncset.done $0x0  }
0x127: {  	[sflag:s14] =	ssyncadd.s32 $0xFFFFFF80  }
.LBB2_21:
0x128: {  	_ =	sfence.sel $0x180000  }
0x129: {  	[bflag:$0x0] =	sbarrier.arrive $0xFFFF  }
0x12a: {  	p0 =	sne.s32 s0, $0x0;
	_ =	strace $0x90000047  }
0x12b: {  	s0 =	sadd.s32 @!p0 $0x100000, s1;
	[bflag:$0x2] =	sbarrier.arrive $0xFFFF  }
0x12c: {  	[sflag:s0] =	ssyncadd.tile.s32 @!p0 $0x1;
	_ =	shalt  }
.Lfunc_end2:
_tile_overlayer_lowered:
.L_overlay_start_2:
0x12d: {  	(tag) =	ssettag $0x2  }
0x12e: {  	s0 =	rddreg [dreg:$0x0];
	s2 =	stileid.u32  }
0x12f: {  	s1 =	rddreg [dreg:$0x1];
	p0 =	sne.s32 s2, $0x0  }
0x130: {  	s3 =	rddreg [dreg:$0x2];
	[bflag:$0x3] =	sbarrier.arrive $0xFFFF;
	s2 =	simm.s32 @!p0 $0x1C03  }
0x131: {  	[timem:s3], [sflag:s2] =	dma.local @!p0 [hbm:s0], s1  }
0x132: {  	s0 =	simm.s32 @!p0 $0x3  }
0x133: {  	_ =	swait.ge @!p0 [sflag:s0], s1  }
0x134: {  	s1 =	ssub.s32 @!p0 $0x0, s1;
	[sflag:s0] =	ssyncset.done @!p0 $0x0  }
0x135: {  	[sflag:s0] =	ssyncadd.s32 @!p0 s1  }
0x136: {  	[bflag:$0x3] =	sbarrier.arrive $0xFFFF  }
0x137: {  	_ =	shalt  }

</sc_bundles>
